<compile_context>
chip_gen: v7x
topology: tpu7x:2x2x1
jax: 0.10.2.dev20260603
libtpu: 0.0.44.dev20260713+nightly
codegen_flags: <defaults>
</compile_context>

<pallas_src>
import jax
import jax.numpy as jnp
from jax import lax
from jax.experimental import pallas as pl
from jax.experimental.pallas import tpu as pltpu
from jax.experimental.pallas import tpu_sc as plsc
from jax.experimental import layout as jax_layout

BATCH = 16384
D = 16
NC = 2
NS = 16
NW = NC * NS
B_PER_W = BATCH // NW
CHUNK = 128
NCHUNK = B_PER_W // CHUNK
GROUPS = B_PER_W // 16


def _bpr_body(user_hbm, item_i_hbm, item_j_hbm, eu_hbm, ei_hbm, out_hbm,
              idx_u, idx_i, idx_j, u_rows, vi_rows, vj_rows, tot, sem):
    wid = lax.axis_index("s") * NC + lax.axis_index("c")
    base = wid * B_PER_W

    for k in range(NCHUNK):
        off = base + k * CHUNK
        pltpu.sync_copy(user_hbm.at[pl.ds(off, CHUNK)], idx_u.at[k])
        pltpu.sync_copy(item_i_hbm.at[pl.ds(off, CHUNK)], idx_i.at[k])
        pltpu.sync_copy(item_j_hbm.at[pl.ds(off, CHUNK)], idx_j.at[k])

    cps = []
    for k in range(NCHUNK):
        sl = pl.ds(k * CHUNK, CHUNK)
        cps.append(pltpu.async_copy(eu_hbm.at[idx_u.at[k]], u_rows.at[sl], sem))
        cps.append(pltpu.async_copy(ei_hbm.at[idx_i.at[k]], vi_rows.at[sl], sem))
        cps.append(pltpu.async_copy(ei_hbm.at[idx_j.at[k]], vj_rows.at[sl], sem))
    for cp in cps:
        cp.wait()

    lanes = lax.iota(jnp.int32, 16)

    def group_body(g, acc):
        rows = lanes + g * 16
        dot = jnp.zeros((16,), jnp.float32)
        for f in range(D):
            col = jnp.full((16,), f, jnp.int32)
            u_c = plsc.load_gather(u_rows, [rows, col])
            vi_c = plsc.load_gather(vi_rows, [rows, col])
            vj_c = plsc.load_gather(vj_rows, [rows, col])
            dot = dot + u_c * (vj_c - vi_c)
        sig = 1.0 / (1.0 + jnp.exp(-dot))
        return acc + sig

    total = lax.fori_loop(0, GROUPS, group_body, jnp.zeros((16,), jnp.float32))
    tot[...] = total
    pltpu.sync_copy(tot, out_hbm.at[wid])


@jax.jit
def _bpr(user, item_i, item_j, embed_user, embed_item):
    mesh = plsc.VectorSubcoreMesh(core_axis_name="c", subcore_axis_name="s")
    run = pl.kernel(
        _bpr_body,
        out_type=jax.ShapeDtypeStruct((NW, 16), jnp.float32),
        mesh=mesh,
        compiler_params=pltpu.CompilerParams(
            needs_layout_passes=False, use_tc_tiling_on_sc=False),
        scratch_types=[
            pltpu.VMEM((NCHUNK, CHUNK), jnp.int32),
            pltpu.VMEM((NCHUNK, CHUNK), jnp.int32),
            pltpu.VMEM((NCHUNK, CHUNK), jnp.int32),
            pltpu.VMEM((B_PER_W, D), jnp.float32),
            pltpu.VMEM((B_PER_W, D), jnp.float32),
            pltpu.VMEM((B_PER_W, D), jnp.float32),
            pltpu.VMEM((16,), jnp.float32),
            pltpu.SemaphoreType.DMA,
        ],
    )
    partials = run(user, item_i, item_j, embed_user, embed_item)
    return jnp.sum(partials)


def _row_major(x):
    lay = jax_layout.Layout(major_to_minor=(0, 1))
    return jax_layout.with_layout_constraint(x, lay)


def kernel(user, item_i, item_j, embed_user, embed_item):
    return _bpr(user, item_i, item_j,
                _row_major(embed_user), _row_major(embed_item))

# --- scband reference (transcript-rebuilt; emitter-appended) ---
"""Pipeline reference for scband-bpr-77455440216523 (READ-ONLY COPY).

The authoritative reference and input builder live on the scoring server;
editing this copy changes nothing except your own understanding.
"""

import jax, jax.numpy as jnp
import numpy as np

USER_NUM = 1000000
ITEM_NUM = 1000000
FACTOR_NUM = 16
BATCH = 16384


def setup_inputs(seed: int = 0) -> dict:
    key = jax.random.key(seed)
    k1, k2, k3, k4, k5 = jax.random.split(key, 5)
    user = jax.random.randint(k1, (BATCH,), 0, USER_NUM, dtype=jnp.int64 if jax.config.jax_enable_x64 else jnp.int32)
    item_i = jax.random.randint(k2, (BATCH,), 0, ITEM_NUM, dtype=jnp.int64 if jax.config.jax_enable_x64 else jnp.int32)
    item_j = jax.random.randint(k3, (BATCH,), 0, ITEM_NUM, dtype=jnp.int64 if jax.config.jax_enable_x64 else jnp.int32)
    embed_user = jax.random.normal(k4, (USER_NUM, FACTOR_NUM), dtype=jnp.float32) * 0.01
    embed_item = jax.random.normal(k5, (ITEM_NUM, FACTOR_NUM), dtype=jnp.float32) * 0.01
    return {"user": user, "item_i": item_i, "item_j": item_j,
            "embed_user": embed_user, "embed_item": embed_item}


def reference(user, item_i, item_j, embed_user, embed_item):
    u = jnp.take(embed_user, user, axis=0)
    vi = jnp.take(embed_item, item_i, axis=0)
    vj = jnp.take(embed_item, item_j, axis=0)
    prediction_i = (u * vi).sum(axis=-1)
    prediction_j = (u * vj).sum(axis=-1)
    return jax.nn.sigmoid(prediction_j - prediction_i).sum()

if __name__ == "__main__":
    import jax
    _d = setup_inputs()
    print(jax.jit(kernel)(*tuple(_d.values())))

</pallas_src>

<mosaic_0001>
#map = affine_map<(d0, d1) -> (0)>
#map1 = affine_map<(d0, d1) -> (0, 0)>
module attributes {stable_mosaic.version = 14 : i64} {
  func.func @_bpr_body(%arg0: i32, %arg1: i32, %arg2: memref<16384xi32, #tpu.memory_space<hbm>>, %arg3: memref<16384xi32, #tpu.memory_space<hbm>>, %arg4: memref<16384xi32, #tpu.memory_space<hbm>>, %arg5: memref<1000000x16xf32, #tpu.memory_space<hbm>>, %arg6: memref<1000000x16xf32, #tpu.memory_space<hbm>>, %arg7: memref<32x16xf32, #tpu.memory_space<hbm>>, %arg8: memref<4x128xi32, #tpu.memory_space<vmem>>, %arg9: memref<4x128xi32, #tpu.memory_space<vmem>>, %arg10: memref<4x128xi32, #tpu.memory_space<vmem>>, %arg11: memref<512x16xf32, #tpu.memory_space<vmem>>, %arg12: memref<512x16xf32, #tpu.memory_space<vmem>>, %arg13: memref<512x16xf32, #tpu.memory_space<vmem>>, %arg14: memref<16xf32, #tpu.memory_space<vmem>>, %arg15: memref<!tpu.dma_semaphore, #tpu.memory_space<semaphore_mem>>) attributes {dimension_semantics = [#tpu.dimension_semantics<core_parallel>, #tpu.dimension_semantics<subcore_parallel>], iteration_bounds = array<i64: 2, 16>, scalar_prefetch = 0 : i64, scratch_operands = 8 : i64, tpu.core_type = #tpu.core_type<sc_vector_subcore>, window_params = [{transform_indices = #map}, {transform_indices = #map}, {transform_indices = #map}, {transform_indices = #map1}, {transform_indices = #map1}, {transform_indices = #map1}]} {
    %mul3A = arith.constant 2 : i32
    %mul3A_0 = arith.muli %arg1, %mul3A : i32
    %add3A = arith.addi %mul3A_0, %arg0 : i32
    %mul3A_1 = arith.constant 512 : i32
    %mul3A_2 = arith.muli %add3A, %mul3A_1 : i32
    %add3A_3 = arith.constant 0 : i32
    %add3A_4 = arith.addi %mul3A_2, %add3A_3 : i32
    %run_scoped3A = arith.constant 0 : i32
    "tpu.region"() ({
      %run_scoped3A_267 = tpu.sem_alloc : memref<!tpu.dma_semaphore, #tpu.memory_space<semaphore_mem>>
      %dma_start3A_268 = arith.constant 0 : i32
      %dma_start3A_269 = tpu.memref_slice %arg8[%run_scoped3A, %dma_start3A_268] : memref<4x128xi32, #tpu.memory_space<vmem>> -> memref<1x128xi32, #tpu.memory_space<vmem>>
      %dma_start3A_270 = tpu.memref_squeeze %dma_start3A_269 : memref<1x128xi32, #tpu.memory_space<vmem>> -> memref<128xi32, #tpu.memory_space<vmem>>
      %dma_start3A_271 = tpu.memref_slice %arg2[%add3A_4] : memref<16384xi32, #tpu.memory_space<hbm>> -> memref<128xi32, #tpu.memory_space<hbm>>
      %dma_start3A_272 = arith.constant 0 : i32
      %dma_start3A_273 = tpu.memref_slice %arg8[%run_scoped3A, %dma_start3A_272] : memref<4x128xi32, #tpu.memory_space<vmem>> -> memref<1x128xi32, #tpu.memory_space<vmem>>
      %dma_start3A_274 = tpu.memref_squeeze %dma_start3A_273 : memref<1x128xi32, #tpu.memory_space<vmem>> -> memref<128xi32, #tpu.memory_space<vmem>>
      %dma_start3A_275 = tpu.memref_slice %arg2[%add3A_4] : memref<16384xi32, #tpu.memory_space<hbm>> -> memref<128xi32, #tpu.memory_space<hbm>>
      tpu.enqueue_dma source(%dma_start3A_275 : memref<128xi32, #tpu.memory_space<hbm>>) target(%dma_start3A_274 : memref<128xi32, #tpu.memory_space<vmem>>) target_semaphore(%run_scoped3A_267 : memref<!tpu.dma_semaphore, #tpu.memory_space<semaphore_mem>>)
      %dma_wait3A_276 = arith.constant 0 : i32
      %dma_wait3A_277 = tpu.memref_slice %arg8[%run_scoped3A, %dma_wait3A_276] : memref<4x128xi32, #tpu.memory_space<vmem>> -> memref<1x128xi32, #tpu.memory_space<vmem>>
      %dma_wait3A_278 = tpu.memref_squeeze %dma_wait3A_277 : memref<1x128xi32, #tpu.memory_space<vmem>> -> memref<128xi32, #tpu.memory_space<vmem>>
      %dma_wait3A_279 = tpu.memref_slice %arg2[%add3A_4] : memref<16384xi32, #tpu.memory_space<hbm>> -> memref<128xi32, #tpu.memory_space<hbm>>
      %dma_wait3A_280 = arith.constant 0 : i32
      %dma_wait3A_281 = tpu.memref_slice %arg8[%run_scoped3A, %dma_wait3A_280] : memref<4x128xi32, #tpu.memory_space<vmem>> -> memref<1x128xi32, #tpu.memory_space<vmem>>
      %dma_wait3A_282 = tpu.memref_squeeze %dma_wait3A_281 : memref<1x128xi32, #tpu.memory_space<vmem>> -> memref<128xi32, #tpu.memory_space<vmem>>
      %dma_wait3A_283 = tpu.memref_slice %arg2[%add3A_4] : memref<16384xi32, #tpu.memory_space<hbm>> -> memref<128xi32, #tpu.memory_space<hbm>>
      tpu.wait_dma2 semaphore(%run_scoped3A_267 : memref<!tpu.dma_semaphore, #tpu.memory_space<semaphore_mem>>) src(%dma_wait3A_283 : memref<128xi32, #tpu.memory_space<hbm>>) dst(%dma_wait3A_282 : memref<128xi32, #tpu.memory_space<vmem>>)
      tpu.yield
    }) : () -> ()
    %run_scoped3A_5 = arith.constant 0 : i32
    "tpu.region"() ({
      %run_scoped3A_267 = tpu.sem_alloc : memref<!tpu.dma_semaphore, #tpu.memory_space<semaphore_mem>>
      %dma_start3A_268 = arith.constant 0 : i32
      %dma_start3A_269 = tpu.memref_slice %arg9[%run_scoped3A_5, %dma_start3A_268] : memref<4x128xi32, #tpu.memory_space<vmem>> -> memref<1x128xi32, #tpu.memory_space<vmem>>
      %dma_start3A_270 = tpu.memref_squeeze %dma_start3A_269 : memref<1x128xi32, #tpu.memory_space<vmem>> -> memref<128xi32, #tpu.memory_space<vmem>>
      %dma_start3A_271 = tpu.memref_slice %arg3[%add3A_4] : memref<16384xi32, #tpu.memory_space<hbm>> -> memref<128xi32, #tpu.memory_space<hbm>>
      %dma_start3A_272 = arith.constant 0 : i32
      %dma_start3A_273 = tpu.memref_slice %arg9[%run_scoped3A_5, %dma_start3A_272] : memref<4x128xi32, #tpu.memory_space<vmem>> -> memref<1x128xi32, #tpu.memory_space<vmem>>
      %dma_start3A_274 = tpu.memref_squeeze %dma_start3A_273 : memref<1x128xi32, #tpu.memory_space<vmem>> -> memref<128xi32, #tpu.memory_space<vmem>>
      %dma_start3A_275 = tpu.memref_slice %arg3[%add3A_4] : memref<16384xi32, #tpu.memory_space<hbm>> -> memref<128xi32, #tpu.memory_space<hbm>>
      tpu.enqueue_dma source(%dma_start3A_275 : memref<128xi32, #tpu.memory_space<hbm>>) target(%dma_start3A_274 : memref<128xi32, #tpu.memory_space<vmem>>) target_semaphore(%run_scoped3A_267 : memref<!tpu.dma_semaphore, #tpu.memory_space<semaphore_mem>>)
      %dma_wait3A_276 = arith.constant 0 : i32
      %dma_wait3A_277 = tpu.memref_slice %arg9[%run_scoped3A_5, %dma_wait3A_276] : memref<4x128xi32, #tpu.memory_space<vmem>> -> memref<1x128xi32, #tpu.memory_space<vmem>>
      %dma_wait3A_278 = tpu.memref_squeeze %dma_wait3A_277 : memref<1x128xi32, #tpu.memory_space<vmem>> -> memref<128xi32, #tpu.memory_space<vmem>>
      %dma_wait3A_279 = tpu.memref_slice %arg3[%add3A_4] : memref<16384xi32, #tpu.memory_space<hbm>> -> memref<128xi32, #tpu.memory_space<hbm>>
      %dma_wait3A_280 = arith.constant 0 : i32
      %dma_wait3A_281 = tpu.memref_slice %arg9[%run_scoped3A_5, %dma_wait3A_280] : memref<4x128xi32, #tpu.memory_space<vmem>> -> memref<1x128xi32, #tpu.memory_space<vmem>>
      %dma_wait3A_282 = tpu.memref_squeeze %dma_wait3A_281 : memref<1x128xi32, #tpu.memory_space<vmem>> -> memref<128xi32, #tpu.memory_space<vmem>>
      %dma_wait3A_283 = tpu.memref_slice %arg3[%add3A_4] : memref<16384xi32, #tpu.memory_space<hbm>> -> memref<128xi32, #tpu.memory_space<hbm>>
      tpu.wait_dma2 semaphore(%run_scoped3A_267 : memref<!tpu.dma_semaphore, #tpu.memory_space<semaphore_mem>>) src(%dma_wait3A_283 : memref<128xi32, #tpu.memory_space<hbm>>) dst(%dma_wait3A_282 : memref<128xi32, #tpu.memory_space<vmem>>)
      tpu.yield
    }) : () -> ()
    %run_scoped3A_6 = arith.constant 0 : i32
    "tpu.region"() ({
      %run_scoped3A_267 = tpu.sem_alloc : memref<!tpu.dma_semaphore, #tpu.memory_space<semaphore_mem>>
      %dma_start3A_268 = arith.constant 0 : i32
      %dma_start3A_269 = tpu.memref_slice %arg10[%run_scoped3A_6, %dma_start3A_268] : memref<4x128xi32, #tpu.memory_space<vmem>> -> memref<1x128xi32, #tpu.memory_space<vmem>>
      %dma_start3A_270 = tpu.memref_squeeze %dma_start3A_269 : memref<1x128xi32, #tpu.memory_space<vmem>> -> memref<128xi32, #tpu.memory_space<vmem>>
      %dma_start3A_271 = tpu.memref_slice %arg4[%add3A_4] : memref<16384xi32, #tpu.memory_space<hbm>> -> memref<128xi32, #tpu.memory_space<hbm>>
      %dma_start3A_272 = arith.constant 0 : i32
      %dma_start3A_273 = tpu.memref_slice %arg10[%run_scoped3A_6, %dma_start3A_272] : memref<4x128xi32, #tpu.memory_space<vmem>> -> memref<1x128xi32, #tpu.memory_space<vmem>>
      %dma_start3A_274 = tpu.memref_squeeze %dma_start3A_273 : memref<1x128xi32, #tpu.memory_space<vmem>> -> memref<128xi32, #tpu.memory_space<vmem>>
      %dma_start3A_275 = tpu.memref_slice %arg4[%add3A_4] : memref<16384xi32, #tpu.memory_space<hbm>> -> memref<128xi32, #tpu.memory_space<hbm>>
      tpu.enqueue_dma source(%dma_start3A_275 : memref<128xi32, #tpu.memory_space<hbm>>) target(%dma_start3A_274 : memref<128xi32, #tpu.memory_space<vmem>>) target_semaphore(%run_scoped3A_267 : memref<!tpu.dma_semaphore, #tpu.memory_space<semaphore_mem>>)
      %dma_wait3A_276 = arith.constant 0 : i32
      %dma_wait3A_277 = tpu.memref_slice %arg10[%run_scoped3A_6, %dma_wait3A_276] : memref<4x128xi32, #tpu.memory_space<vmem>> -> memref<1x128xi32, #tpu.memory_space<vmem>>
      %dma_wait3A_278 = tpu.memref_squeeze %dma_wait3A_277 : memref<1x128xi32, #tpu.memory_space<vmem>> -> memref<128xi32, #tpu.memory_space<vmem>>
      %dma_wait3A_279 = tpu.memref_slice %arg4[%add3A_4] : memref<16384xi32, #tpu.memory_space<hbm>> -> memref<128xi32, #tpu.memory_space<hbm>>
      %dma_wait3A_280 = arith.constant 0 : i32
      %dma_wait3A_281 = tpu.memref_slice %arg10[%run_scoped3A_6, %dma_wait3A_280] : memref<4x128xi32, #tpu.memory_space<vmem>> -> memref<1x128xi32, #tpu.memory_space<vmem>>
      %dma_wait3A_282 = tpu.memref_squeeze %dma_wait3A_281 : memref<1x128xi32, #tpu.memory_space<vmem>> -> memref<128xi32, #tpu.memory_space<vmem>>
      %dma_wait3A_283 = tpu.memref_slice %arg4[%add3A_4] : memref<16384xi32, #tpu.memory_space<hbm>> -> memref<128xi32, #tpu.memory_space<hbm>>
      tpu.wait_dma2 semaphore(%run_scoped3A_267 : memref<!tpu.dma_semaphore, #tpu.memory_space<semaphore_mem>>) src(%dma_wait3A_283 : memref<128xi32, #tpu.memory_space<hbm>>) dst(%dma_wait3A_282 : memref<128xi32, #tpu.memory_space<vmem>>)
      tpu.yield
    }) : () -> ()
    %add3A_7 = arith.constant 128 : i32
    %add3A_8 = arith.addi %mul3A_2, %add3A_7 : i32
    %run_scoped3A_9 = arith.constant 1 : i32
    "tpu.region"() ({
      %run_scoped3A_267 = tpu.sem_alloc : memref<!tpu.dma_semaphore, #tpu.memory_space<semaphore_mem>>
      %dma_start3A_268 = arith.constant 0 : i32
      %dma_start3A_269 = tpu.memref_slice %arg8[%run_scoped3A_9, %dma_start3A_268] : memref<4x128xi32, #tpu.memory_space<vmem>> -> memref<1x128xi32, #tpu.memory_space<vmem>>
      %dma_start3A_270 = tpu.memref_squeeze %dma_start3A_269 : memref<1x128xi32, #tpu.memory_space<vmem>> -> memref<128xi32, #tpu.memory_space<vmem>>
      %dma_start3A_271 = tpu.memref_slice %arg2[%add3A_8] : memref<16384xi32, #tpu.memory_space<hbm>> -> memref<128xi32, #tpu.memory_space<hbm>>
      %dma_start3A_272 = arith.constant 0 : i32
      %dma_start3A_273 = tpu.memref_slice %arg8[%run_scoped3A_9, %dma_start3A_272] : memref<4x128xi32, #tpu.memory_space<vmem>> -> memref<1x128xi32, #tpu.memory_space<vmem>>
      %dma_start3A_274 = tpu.memref_squeeze %dma_start3A_273 : memref<1x128xi32, #tpu.memory_space<vmem>> -> memref<128xi32, #tpu.memory_space<vmem>>
      %dma_start3A_275 = tpu.memref_slice %arg2[%add3A_8] : memref<16384xi32, #tpu.memory_space<hbm>> -> memref<128xi32, #tpu.memory_space<hbm>>
      tpu.enqueue_dma source(%dma_start3A_275 : memref<128xi32, #tpu.memory_space<hbm>>) target(%dma_start3A_274 : memref<128xi32, #tpu.memory_space<vmem>>) target_semaphore(%run_scoped3A_267 : memref<!tpu.dma_semaphore, #tpu.memory_space<semaphore_mem>>)
      %dma_wait3A_276 = arith.constant 0 : i32
      %dma_wait3A_277 = tpu.memref_slice %arg8[%run_scoped3A_9, %dma_wait3A_276] : memref<4x128xi32, #tpu.memory_space<vmem>> -> memref<1x128xi32, #tpu.memory_space<vmem>>
      %dma_wait3A_278 = tpu.memref_squeeze %dma_wait3A_277 : memref<1x128xi32, #tpu.memory_space<vmem>> -> memref<128xi32, #tpu.memory_space<vmem>>
      %dma_wait3A_279 = tpu.memref_slice %arg2[%add3A_8] : memref<16384xi32, #tpu.memory_space<hbm>> -> memref<128xi32, #tpu.memory_space<hbm>>
      %dma_wait3A_280 = arith.constant 0 : i32
      %dma_wait3A_281 = tpu.memref_slice %arg8[%run_scoped3A_9, %dma_wait3A_280] : memref<4x128xi32, #tpu.memory_space<vmem>> -> memref<1x128xi32, #tpu.memory_space<vmem>>
      %dma_wait3A_282 = tpu.memref_squeeze %dma_wait3A_281 : memref<1x128xi32, #tpu.memory_space<vmem>> -> memref<128xi32, #tpu.memory_space<vmem>>
      %dma_wait3A_283 = tpu.memref_slice %arg2[%add3A_8] : memref<16384xi32, #tpu.memory_space<hbm>> -> memref<128xi32, #tpu.memory_space<hbm>>
      tpu.wait_dma2 semaphore(%run_scoped3A_267 : memref<!tpu.dma_semaphore, #tpu.memory_space<semaphore_mem>>) src(%dma_wait3A_283 : memref<128xi32, #tpu.memory_space<hbm>>) dst(%dma_wait3A_282 : memref<128xi32, #tpu.memory_space<vmem>>)
      tpu.yield
    }) : () -> ()
    %run_scoped3A_10 = arith.constant 1 : i32
    "tpu.region"() ({
      %run_scoped3A_267 = tpu.sem_alloc : memref<!tpu.dma_semaphore, #tpu.memory_space<semaphore_mem>>
      %dma_start3A_268 = arith.constant 0 : i32
      %dma_start3A_269 = tpu.memref_slice %arg9[%run_scoped3A_10, %dma_start3A_268] : memref<4x128xi32, #tpu.memory_space<vmem>> -> memref<1x128xi32, #tpu.memory_space<vmem>>
      %dma_start3A_270 = tpu.memref_squeeze %dma_start3A_269 : memref<1x128xi32, #tpu.memory_space<vmem>> -> memref<128xi32, #tpu.memory_space<vmem>>
      %dma_start3A_271 = tpu.memref_slice %arg3[%add3A_8] : memref<16384xi32, #tpu.memory_space<hbm>> -> memref<128xi32, #tpu.memory_space<hbm>>
      %dma_start3A_272 = arith.constant 0 : i32
      %dma_start3A_273 = tpu.memref_slice %arg9[%run_scoped3A_10, %dma_start3A_272] : memref<4x128xi32, #tpu.memory_space<vmem>> -> memref<1x128xi32, #tpu.memory_space<vmem>>
      %dma_start3A_274 = tpu.memref_squeeze %dma_start3A_273 : memref<1x128xi32, #tpu.memory_space<vmem>> -> memref<128xi32, #tpu.memory_space<vmem>>
      %dma_start3A_275 = tpu.memref_slice %arg3[%add3A_8] : memref<16384xi32, #tpu.memory_space<hbm>> -> memref<128xi32, #tpu.memory_space<hbm>>
      tpu.enqueue_dma source(%dma_start3A_275 : memref<128xi32, #tpu.memory_space<hbm>>) target(%dma_start3A_274 : memref<128xi32, #tpu.memory_space<vmem>>) target_semaphore(%run_scoped3A_267 : memref<!tpu.dma_semaphore, #tpu.memory_space<semaphore_mem>>)
      %dma_wait3A_276 = arith.constant 0 : i32
      %dma_wait3A_277 = tpu.memref_slice %arg9[%run_scoped3A_10, %dma_wait3A_276] : memref<4x128xi32, #tpu.memory_space<vmem>> -> memref<1x128xi32, #tpu.memory_space<vmem>>
      %dma_wait3A_278 = tpu.memref_squeeze %dma_wait3A_277 : memref<1x128xi32, #tpu.memory_space<vmem>> -> memref<128xi32, #tpu.memory_space<vmem>>
      %dma_wait3A_279 = tpu.memref_slice %arg3[%add3A_8] : memref<16384xi32, #tpu.memory_space<hbm>> -> memref<128xi32, #tpu.memory_space<hbm>>
      %dma_wait3A_280 = arith.constant 0 : i32
      %dma_wait3A_281 = tpu.memref_slice %arg9[%run_scoped3A_10, %dma_wait3A_280] : memref<4x128xi32, #tpu.memory_space<vmem>> -> memref<1x128xi32, #tpu.memory_space<vmem>>
      %dma_wait3A_282 = tpu.memref_squeeze %dma_wait3A_281 : memref<1x128xi32, #tpu.memory_space<vmem>> -> memref<128xi32, #tpu.memory_space<vmem>>
      %dma_wait3A_283 = tpu.memref_slice %arg3[%add3A_8] : memref<16384xi32, #tpu.memory_space<hbm>> -> memref<128xi32, #tpu.memory_space<hbm>>
      tpu.wait_dma2 semaphore(%run_scoped3A_267 : memref<!tpu.dma_semaphore, #tpu.memory_space<semaphore_mem>>) src(%dma_wait3A_283 : memref<128xi32, #tpu.memory_space<hbm>>) dst(%dma_wait3A_282 : memref<128xi32, #tpu.memory_space<vmem>>)
      tpu.yield
    }) : () -> ()
    %run_scoped3A_11 = arith.constant 1 : i32
    "tpu.region"() ({
      %run_scoped3A_267 = tpu.sem_alloc : memref<!tpu.dma_semaphore, #tpu.memory_space<semaphore_mem>>
      %dma_start3A_268 = arith.constant 0 : i32
      %dma_start3A_269 = tpu.memref_slice %arg10[%run_scoped3A_11, %dma_start3A_268] : memref<4x128xi32, #tpu.memory_space<vmem>> -> memref<1x128xi32, #tpu.memory_space<vmem>>
      %dma_start3A_270 = tpu.memref_squeeze %dma_start3A_269 : memref<1x128xi32, #tpu.memory_space<vmem>> -> memref<128xi32, #tpu.memory_space<vmem>>
      %dma_start3A_271 = tpu.memref_slice %arg4[%add3A_8] : memref<16384xi32, #tpu.memory_space<hbm>> -> memref<128xi32, #tpu.memory_space<hbm>>
      %dma_start3A_272 = arith.constant 0 : i32
      %dma_start3A_273 = tpu.memref_slice %arg10[%run_scoped3A_11, %dma_start3A_272] : memref<4x128xi32, #tpu.memory_space<vmem>> -> memref<1x128xi32, #tpu.memory_space<vmem>>
      %dma_start3A_274 = tpu.memref_squeeze %dma_start3A_273 : memref<1x128xi32, #tpu.memory_space<vmem>> -> memref<128xi32, #tpu.memory_space<vmem>>
      %dma_start3A_275 = tpu.memref_slice %arg4[%add3A_8] : memref<16384xi32, #tpu.memory_space<hbm>> -> memref<128xi32, #tpu.memory_space<hbm>>
      tpu.enqueue_dma source(%dma_start3A_275 : memref<128xi32, #tpu.memory_space<hbm>>) target(%dma_start3A_274 : memref<128xi32, #tpu.memory_space<vmem>>) target_semaphore(%run_scoped3A_267 : memref<!tpu.dma_semaphore, #tpu.memory_space<semaphore_mem>>)
      %dma_wait3A_276 = arith.constant 0 : i32
      %dma_wait3A_277 = tpu.memref_slice %arg10[%run_scoped3A_11, %dma_wait3A_276] : memref<4x128xi32, #tpu.memory_space<vmem>> -> memref<1x128xi32, #tpu.memory_space<vmem>>
      %dma_wait3A_278 = tpu.memref_squeeze %dma_wait3A_277 : memref<1x128xi32, #tpu.memory_space<vmem>> -> memref<128xi32, #tpu.memory_space<vmem>>
      %dma_wait3A_279 = tpu.memref_slice %arg4[%add3A_8] : memref<16384xi32, #tpu.memory_space<hbm>> -> memref<128xi32, #tpu.memory_space<hbm>>
      %dma_wait3A_280 = arith.constant 0 : i32
      %dma_wait3A_281 = tpu.memref_slice %arg10[%run_scoped3A_11, %dma_wait3A_280] : memref<4x128xi32, #tpu.memory_space<vmem>> -> memref<1x128xi32, #tpu.memory_space<vmem>>
      %dma_wait3A_282 = tpu.memref_squeeze %dma_wait3A_281 : memref<1x128xi32, #tpu.memory_space<vmem>> -> memref<128xi32, #tpu.memory_space<vmem>>
      %dma_wait3A_283 = tpu.memref_slice %arg4[%add3A_8] : memref<16384xi32, #tpu.memory_space<hbm>> -> memref<128xi32, #tpu.memory_space<hbm>>
      tpu.wait_dma2 semaphore(%run_scoped3A_267 : memref<!tpu.dma_semaphore, #tpu.memory_space<semaphore_mem>>) src(%dma_wait3A_283 : memref<128xi32, #tpu.memory_space<hbm>>) dst(%dma_wait3A_282 : memref<128xi32, #tpu.memory_space<vmem>>)
      tpu.yield
    }) : () -> ()
    %add3A_12 = arith.constant 256 : i32
    %add3A_13 = arith.addi %mul3A_2, %add3A_12 : i32
    %run_scoped3A_14 = arith.constant 2 : i32
    "tpu.region"() ({
      %run_scoped3A_267 = tpu.sem_alloc : memref<!tpu.dma_semaphore, #tpu.memory_space<semaphore_mem>>
      %dma_start3A_268 = arith.constant 0 : i32
      %dma_start3A_269 = tpu.memref_slice %arg8[%run_scoped3A_14, %dma_start3A_268] : memref<4x128xi32, #tpu.memory_space<vmem>> -> memref<1x128xi32, #tpu.memory_space<vmem>>
      %dma_start3A_270 = tpu.memref_squeeze %dma_start3A_269 : memref<1x128xi32, #tpu.memory_space<vmem>> -> memref<128xi32, #tpu.memory_space<vmem>>
      %dma_start3A_271 = tpu.memref_slice %arg2[%add3A_13] : memref<16384xi32, #tpu.memory_space<hbm>> -> memref<128xi32, #tpu.memory_space<hbm>>
      %dma_start3A_272 = arith.constant 0 : i32
      %dma_start3A_273 = tpu.memref_slice %arg8[%run_scoped3A_14, %dma_start3A_272] : memref<4x128xi32, #tpu.memory_space<vmem>> -> memref<1x128xi32, #tpu.memory_space<vmem>>
      %dma_start3A_274 = tpu.memref_squeeze %dma_start3A_273 : memref<1x128xi32, #tpu.memory_space<vmem>> -> memref<128xi32, #tpu.memory_space<vmem>>
      %dma_start3A_275 = tpu.memref_slice %arg2[%add3A_13] : memref<16384xi32, #tpu.memory_space<hbm>> -> memref<128xi32, #tpu.memory_space<hbm>>
      tpu.enqueue_dma source(%dma_start3A_275 : memref<128xi32, #tpu.memory_space<hbm>>) target(%dma_start3A_274 : memref<128xi32, #tpu.memory_space<vmem>>) target_semaphore(%run_scoped3A_267 : memref<!tpu.dma_semaphore, #tpu.memory_space<semaphore_mem>>)
      %dma_wait3A_276 = arith.constant 0 : i32
      %dma_wait3A_277 = tpu.memref_slice %arg8[%run_scoped3A_14, %dma_wait3A_276] : memref<4x128xi32, #tpu.memory_space<vmem>> -> memref<1x128xi32, #tpu.memory_space<vmem>>
      %dma_wait3A_278 = tpu.memref_squeeze %dma_wait3A_277 : memref<1x128xi32, #tpu.memory_space<vmem>> -> memref<128xi32, #tpu.memory_space<vmem>>
      %dma_wait3A_279 = tpu.memref_slice %arg2[%add3A_13] : memref<16384xi32, #tpu.memory_space<hbm>> -> memref<128xi32, #tpu.memory_space<hbm>>
      %dma_wait3A_280 = arith.constant 0 : i32
      %dma_wait3A_281 = tpu.memref_slice %arg8[%run_scoped3A_14, %dma_wait3A_280] : memref<4x128xi32, #tpu.memory_space<vmem>> -> memref<1x128xi32, #tpu.memory_space<vmem>>
      %dma_wait3A_282 = tpu.memref_squeeze %dma_wait3A_281 : memref<1x128xi32, #tpu.memory_space<vmem>> -> memref<128xi32, #tpu.memory_space<vmem>>
      %dma_wait3A_283 = tpu.memref_slice %arg2[%add3A_13] : memref<16384xi32, #tpu.memory_space<hbm>> -> memref<128xi32, #tpu.memory_space<hbm>>
      tpu.wait_dma2 semaphore(%run_scoped3A_267 : memref<!tpu.dma_semaphore, #tpu.memory_space<semaphore_mem>>) src(%dma_wait3A_283 : memref<128xi32, #tpu.memory_space<hbm>>) dst(%dma_wait3A_282 : memref<128xi32, #tpu.memory_space<vmem>>)
      tpu.yield
    }) : () -> ()
    %run_scoped3A_15 = arith.constant 2 : i32
    "tpu.region"() ({
      %run_scoped3A_267 = tpu.sem_alloc : memref<!tpu.dma_semaphore, #tpu.memory_space<semaphore_mem>>
      %dma_start3A_268 = arith.constant 0 : i32
      %dma_start3A_269 = tpu.memref_slice %arg9[%run_scoped3A_15, %dma_start3A_268] : memref<4x128xi32, #tpu.memory_space<vmem>> -> memref<1x128xi32, #tpu.memory_space<vmem>>
      %dma_start3A_270 = tpu.memref_squeeze %dma_start3A_269 : memref<1x128xi32, #tpu.memory_space<vmem>> -> memref<128xi32, #tpu.memory_space<vmem>>
      %dma_start3A_271 = tpu.memref_slice %arg3[%add3A_13] : memref<16384xi32, #tpu.memory_space<hbm>> -> memref<128xi32, #tpu.memory_space<hbm>>
      %dma_start3A_272 = arith.constant 0 : i32
      %dma_start3A_273 = tpu.memref_slice %arg9[%run_scoped3A_15, %dma_start3A_272] : memref<4x128xi32, #tpu.memory_space<vmem>> -> memref<1x128xi32, #tpu.memory_space<vmem>>
      %dma_start3A_274 = tpu.memref_squeeze %dma_start3A_273 : memref<1x128xi32, #tpu.memory_space<vmem>> -> memref<128xi32, #tpu.memory_space<vmem>>
      %dma_start3A_275 = tpu.memref_slice %arg3[%add3A_13] : memref<16384xi32, #tpu.memory_space<hbm>> -> memref<128xi32, #tpu.memory_space<hbm>>
      tpu.enqueue_dma source(%dma_start3A_275 : memref<128xi32, #tpu.memory_space<hbm>>) target(%dma_start3A_274 : memref<128xi32, #tpu.memory_space<vmem>>) target_semaphore(%run_scoped3A_267 : memref<!tpu.dma_semaphore, #tpu.memory_space<semaphore_mem>>)
      %dma_wait3A_276 = arith.constant 0 : i32
      %dma_wait3A_277 = tpu.memref_slice %arg9[%run_scoped3A_15, %dma_wait3A_276] : memref<4x128xi32, #tpu.memory_space<vmem>> -> memref<1x128xi32, #tpu.memory_space<vmem>>
      %dma_wait3A_278 = tpu.memref_squeeze %dma_wait3A_277 : memref<1x128xi32, #tpu.memory_space<vmem>> -> memref<128xi32, #tpu.memory_space<vmem>>
      %dma_wait3A_279 = tpu.memref_slice %arg3[%add3A_13] : memref<16384xi32, #tpu.memory_space<hbm>> -> memref<128xi32, #tpu.memory_space<hbm>>
      %dma_wait3A_280 = arith.constant 0 : i32
      %dma_wait3A_281 = tpu.memref_slice %arg9[%run_scoped3A_15, %dma_wait3A_280] : memref<4x128xi32, #tpu.memory_space<vmem>> -> memref<1x128xi32, #tpu.memory_space<vmem>>
      %dma_wait3A_282 = tpu.memref_squeeze %dma_wait3A_281 : memref<1x128xi32, #tpu.memory_space<vmem>> -> memref<128xi32, #tpu.memory_space<vmem>>
      %dma_wait3A_283 = tpu.memref_slice %arg3[%add3A_13] : memref<16384xi32, #tpu.memory_space<hbm>> -> memref<128xi32, #tpu.memory_space<hbm>>
      tpu.wait_dma2 semaphore(%run_scoped3A_267 : memref<!tpu.dma_semaphore, #tpu.memory_space<semaphore_mem>>) src(%dma_wait3A_283 : memref<128xi32, #tpu.memory_space<hbm>>) dst(%dma_wait3A_282 : memref<128xi32, #tpu.memory_space<vmem>>)
      tpu.yield
    }) : () -> ()
    %run_scoped3A_16 = arith.constant 2 : i32
    "tpu.region"() ({
      %run_scoped3A_267 = tpu.sem_alloc : memref<!tpu.dma_semaphore, #tpu.memory_space<semaphore_mem>>
      %dma_start3A_268 = arith.constant 0 : i32
      %dma_start3A_269 = tpu.memref_slice %arg10[%run_scoped3A_16, %dma_start3A_268] : memref<4x128xi32, #tpu.memory_space<vmem>> -> memref<1x128xi32, #tpu.memory_space<vmem>>
      %dma_start3A_270 = tpu.memref_squeeze %dma_start3A_269 : memref<1x128xi32, #tpu.memory_space<vmem>> -> memref<128xi32, #tpu.memory_space<vmem>>
      %dma_start3A_271 = tpu.memref_slice %arg4[%add3A_13] : memref<16384xi32, #tpu.memory_space<hbm>> -> memref<128xi32, #tpu.memory_space<hbm>>
      %dma_start3A_272 = arith.constant 0 : i32
      %dma_start3A_273 = tpu.memref_slice %arg10[%run_scoped3A_16, %dma_start3A_272] : memref<4x128xi32, #tpu.memory_space<vmem>> -> memref<1x128xi32, #tpu.memory_space<vmem>>
      %dma_start3A_274 = tpu.memref_squeeze %dma_start3A_273 : memref<1x128xi32, #tpu.memory_space<vmem>> -> memref<128xi32, #tpu.memory_space<vmem>>
      %dma_start3A_275 = tpu.memref_slice %arg4[%add3A_13] : memref<16384xi32, #tpu.memory_space<hbm>> -> memref<128xi32, #tpu.memory_space<hbm>>
      tpu.enqueue_dma source(%dma_start3A_275 : memref<128xi32, #tpu.memory_space<hbm>>) target(%dma_start3A_274 : memref<128xi32, #tpu.memory_space<vmem>>) target_semaphore(%run_scoped3A_267 : memref<!tpu.dma_semaphore, #tpu.memory_space<semaphore_mem>>)
      %dma_wait3A_276 = arith.constant 0 : i32
      %dma_wait3A_277 = tpu.memref_slice %arg10[%run_scoped3A_16, %dma_wait3A_276] : memref<4x128xi32, #tpu.memory_space<vmem>> -> memref<1x128xi32, #tpu.memory_space<vmem>>
      %dma_wait3A_278 = tpu.memref_squeeze %dma_wait3A_277 : memref<1x128xi32, #tpu.memory_space<vmem>> -> memref<128xi32, #tpu.memory_space<vmem>>
      %dma_wait3A_279 = tpu.memref_slice %arg4[%add3A_13] : memref<16384xi32, #tpu.memory_space<hbm>> -> memref<128xi32, #tpu.memory_space<hbm>>
      %dma_wait3A_280 = arith.constant 0 : i32
      %dma_wait3A_281 = tpu.memref_slice %arg10[%run_scoped3A_16, %dma_wait3A_280] : memref<4x128xi32, #tpu.memory_space<vmem>> -> memref<1x128xi32, #tpu.memory_space<vmem>>
      %dma_wait3A_282 = tpu.memref_squeeze %dma_wait3A_281 : memref<1x128xi32, #tpu.memory_space<vmem>> -> memref<128xi32, #tpu.memory_space<vmem>>
      %dma_wait3A_283 = tpu.memref_slice %arg4[%add3A_13] : memref<16384xi32, #tpu.memory_space<hbm>> -> memref<128xi32, #tpu.memory_space<hbm>>
      tpu.wait_dma2 semaphore(%run_scoped3A_267 : memref<!tpu.dma_semaphore, #tpu.memory_space<semaphore_mem>>) src(%dma_wait3A_283 : memref<128xi32, #tpu.memory_space<hbm>>) dst(%dma_wait3A_282 : memref<128xi32, #tpu.memory_space<vmem>>)
      tpu.yield
    }) : () -> ()
    %add3A_17 = arith.constant 384 : i32
    %add3A_18 = arith.addi %mul3A_2, %add3A_17 : i32
    %run_scoped3A_19 = arith.constant 3 : i32
    "tpu.region"() ({
      %run_scoped3A_267 = tpu.sem_alloc : memref<!tpu.dma_semaphore, #tpu.memory_space<semaphore_mem>>
      %dma_start3A_268 = arith.constant 0 : i32
      %dma_start3A_269 = tpu.memref_slice %arg8[%run_scoped3A_19, %dma_start3A_268] : memref<4x128xi32, #tpu.memory_space<vmem>> -> memref<1x128xi32, #tpu.memory_space<vmem>>
      %dma_start3A_270 = tpu.memref_squeeze %dma_start3A_269 : memref<1x128xi32, #tpu.memory_space<vmem>> -> memref<128xi32, #tpu.memory_space<vmem>>
      %dma_start3A_271 = tpu.memref_slice %arg2[%add3A_18] : memref<16384xi32, #tpu.memory_space<hbm>> -> memref<128xi32, #tpu.memory_space<hbm>>
      %dma_start3A_272 = arith.constant 0 : i32
      %dma_start3A_273 = tpu.memref_slice %arg8[%run_scoped3A_19, %dma_start3A_272] : memref<4x128xi32, #tpu.memory_space<vmem>> -> memref<1x128xi32, #tpu.memory_space<vmem>>
      %dma_start3A_274 = tpu.memref_squeeze %dma_start3A_273 : memref<1x128xi32, #tpu.memory_space<vmem>> -> memref<128xi32, #tpu.memory_space<vmem>>
      %dma_start3A_275 = tpu.memref_slice %arg2[%add3A_18] : memref<16384xi32, #tpu.memory_space<hbm>> -> memref<128xi32, #tpu.memory_space<hbm>>
      tpu.enqueue_dma source(%dma_start3A_275 : memref<128xi32, #tpu.memory_space<hbm>>) target(%dma_start3A_274 : memref<128xi32, #tpu.memory_space<vmem>>) target_semaphore(%run_scoped3A_267 : memref<!tpu.dma_semaphore, #tpu.memory_space<semaphore_mem>>)
      %dma_wait3A_276 = arith.constant 0 : i32
      %dma_wait3A_277 = tpu.memref_slice %arg8[%run_scoped3A_19, %dma_wait3A_276] : memref<4x128xi32, #tpu.memory_space<vmem>> -> memref<1x128xi32, #tpu.memory_space<vmem>>
      %dma_wait3A_278 = tpu.memref_squeeze %dma_wait3A_277 : memref<1x128xi32, #tpu.memory_space<vmem>> -> memref<128xi32, #tpu.memory_space<vmem>>
      %dma_wait3A_279 = tpu.memref_slice %arg2[%add3A_18] : memref<16384xi32, #tpu.memory_space<hbm>> -> memref<128xi32, #tpu.memory_space<hbm>>
      %dma_wait3A_280 = arith.constant 0 : i32
      %dma_wait3A_281 = tpu.memref_slice %arg8[%run_scoped3A_19, %dma_wait3A_280] : memref<4x128xi32, #tpu.memory_space<vmem>> -> memref<1x128xi32, #tpu.memory_space<vmem>>
      %dma_wait3A_282 = tpu.memref_squeeze %dma_wait3A_281 : memref<1x128xi32, #tpu.memory_space<vmem>> -> memref<128xi32, #tpu.memory_space<vmem>>
      %dma_wait3A_283 = tpu.memref_slice %arg2[%add3A_18] : memref<16384xi32, #tpu.memory_space<hbm>> -> memref<128xi32, #tpu.memory_space<hbm>>
      tpu.wait_dma2 semaphore(%run_scoped3A_267 : memref<!tpu.dma_semaphore, #tpu.memory_space<semaphore_mem>>) src(%dma_wait3A_283 : memref<128xi32, #tpu.memory_space<hbm>>) dst(%dma_wait3A_282 : memref<128xi32, #tpu.memory_space<vmem>>)
      tpu.yield
    }) : () -> ()
    %run_scoped3A_20 = arith.constant 3 : i32
    "tpu.region"() ({
      %run_scoped3A_267 = tpu.sem_alloc : memref<!tpu.dma_semaphore, #tpu.memory_space<semaphore_mem>>
      %dma_start3A_268 = arith.constant 0 : i32
      %dma_start3A_269 = tpu.memref_slice %arg9[%run_scoped3A_20, %dma_start3A_268] : memref<4x128xi32, #tpu.memory_space<vmem>> -> memref<1x128xi32, #tpu.memory_space<vmem>>
      %dma_start3A_270 = tpu.memref_squeeze %dma_start3A_269 : memref<1x128xi32, #tpu.memory_space<vmem>> -> memref<128xi32, #tpu.memory_space<vmem>>
      %dma_start3A_271 = tpu.memref_slice %arg3[%add3A_18] : memref<16384xi32, #tpu.memory_space<hbm>> -> memref<128xi32, #tpu.memory_space<hbm>>
      %dma_start3A_272 = arith.constant 0 : i32
      %dma_start3A_273 = tpu.memref_slice %arg9[%run_scoped3A_20, %dma_start3A_272] : memref<4x128xi32, #tpu.memory_space<vmem>> -> memref<1x128xi32, #tpu.memory_space<vmem>>
      %dma_start3A_274 = tpu.memref_squeeze %dma_start3A_273 : memref<1x128xi32, #tpu.memory_space<vmem>> -> memref<128xi32, #tpu.memory_space<vmem>>
      %dma_start3A_275 = tpu.memref_slice %arg3[%add3A_18] : memref<16384xi32, #tpu.memory_space<hbm>> -> memref<128xi32, #tpu.memory_space<hbm>>
      tpu.enqueue_dma source(%dma_start3A_275 : memref<128xi32, #tpu.memory_space<hbm>>) target(%dma_start3A_274 : memref<128xi32, #tpu.memory_space<vmem>>) target_semaphore(%run_scoped3A_267 : memref<!tpu.dma_semaphore, #tpu.memory_space<semaphore_mem>>)
      %dma_wait3A_276 = arith.constant 0 : i32
      %dma_wait3A_277 = tpu.memref_slice %arg9[%run_scoped3A_20, %dma_wait3A_276] : memref<4x128xi32, #tpu.memory_space<vmem>> -> memref<1x128xi32, #tpu.memory_space<vmem>>
      %dma_wait3A_278 = tpu.memref_squeeze %dma_wait3A_277 : memref<1x128xi32, #tpu.memory_space<vmem>> -> memref<128xi32, #tpu.memory_space<vmem>>
      %dma_wait3A_279 = tpu.memref_slice %arg3[%add3A_18] : memref<16384xi32, #tpu.memory_space<hbm>> -> memref<128xi32, #tpu.memory_space<hbm>>
      %dma_wait3A_280 = arith.constant 0 : i32
      %dma_wait3A_281 = tpu.memref_slice %arg9[%run_scoped3A_20, %dma_wait3A_280] : memref<4x128xi32, #tpu.memory_space<vmem>> -> memref<1x128xi32, #tpu.memory_space<vmem>>
      %dma_wait3A_282 = tpu.memref_squeeze %dma_wait3A_281 : memref<1x128xi32, #tpu.memory_space<vmem>> -> memref<128xi32, #tpu.memory_space<vmem>>
      %dma_wait3A_283 = tpu.memref_slice %arg3[%add3A_18] : memref<16384xi32, #tpu.memory_space<hbm>> -> memref<128xi32, #tpu.memory_space<hbm>>
      tpu.wait_dma2 semaphore(%run_scoped3A_267 : memref<!tpu.dma_semaphore, #tpu.memory_space<semaphore_mem>>) src(%dma_wait3A_283 : memref<128xi32, #tpu.memory_space<hbm>>) dst(%dma_wait3A_282 : memref<128xi32, #tpu.memory_space<vmem>>)
      tpu.yield
    }) : () -> ()
    %run_scoped3A_21 = arith.constant 3 : i32
    "tpu.region"() ({
      %run_scoped3A_267 = tpu.sem_alloc : memref<!tpu.dma_semaphore, #tpu.memory_space<semaphore_mem>>
      %dma_start3A_268 = arith.constant 0 : i32
      %dma_start3A_269 = tpu.memref_slice %arg10[%run_scoped3A_21, %dma_start3A_268] : memref<4x128xi32, #tpu.memory_space<vmem>> -> memref<1x128xi32, #tpu.memory_space<vmem>>
      %dma_start3A_270 = tpu.memref_squeeze %dma_start3A_269 : memref<1x128xi32, #tpu.memory_space<vmem>> -> memref<128xi32, #tpu.memory_space<vmem>>
      %dma_start3A_271 = tpu.memref_slice %arg4[%add3A_18] : memref<16384xi32, #tpu.memory_space<hbm>> -> memref<128xi32, #tpu.memory_space<hbm>>
      %dma_start3A_272 = arith.constant 0 : i32
      %dma_start3A_273 = tpu.memref_slice %arg10[%run_scoped3A_21, %dma_start3A_272] : memref<4x128xi32, #tpu.memory_space<vmem>> -> memref<1x128xi32, #tpu.memory_space<vmem>>
      %dma_start3A_274 = tpu.memref_squeeze %dma_start3A_273 : memref<1x128xi32, #tpu.memory_space<vmem>> -> memref<128xi32, #tpu.memory_space<vmem>>
      %dma_start3A_275 = tpu.memref_slice %arg4[%add3A_18] : memref<16384xi32, #tpu.memory_space<hbm>> -> memref<128xi32, #tpu.memory_space<hbm>>
      tpu.enqueue_dma source(%dma_start3A_275 : memref<128xi32, #tpu.memory_space<hbm>>) target(%dma_start3A_274 : memref<128xi32, #tpu.memory_space<vmem>>) target_semaphore(%run_scoped3A_267 : memref<!tpu.dma_semaphore, #tpu.memory_space<semaphore_mem>>)
      %dma_wait3A_276 = arith.constant 0 : i32
      %dma_wait3A_277 = tpu.memref_slice %arg10[%run_scoped3A_21, %dma_wait3A_276] : memref<4x128xi32, #tpu.memory_space<vmem>> -> memref<1x128xi32, #tpu.memory_space<vmem>>
      %dma_wait3A_278 = tpu.memref_squeeze %dma_wait3A_277 : memref<1x128xi32, #tpu.memory_space<vmem>> -> memref<128xi32, #tpu.memory_space<vmem>>
      %dma_wait3A_279 = tpu.memref_slice %arg4[%add3A_18] : memref<16384xi32, #tpu.memory_space<hbm>> -> memref<128xi32, #tpu.memory_space<hbm>>
      %dma_wait3A_280 = arith.constant 0 : i32
      %dma_wait3A_281 = tpu.memref_slice %arg10[%run_scoped3A_21, %dma_wait3A_280] : memref<4x128xi32, #tpu.memory_space<vmem>> -> memref<1x128xi32, #tpu.memory_space<vmem>>
      %dma_wait3A_282 = tpu.memref_squeeze %dma_wait3A_281 : memref<1x128xi32, #tpu.memory_space<vmem>> -> memref<128xi32, #tpu.memory_space<vmem>>
      %dma_wait3A_283 = tpu.memref_slice %arg4[%add3A_18] : memref<16384xi32, #tpu.memory_space<hbm>> -> memref<128xi32, #tpu.memory_space<hbm>>
      tpu.wait_dma2 semaphore(%run_scoped3A_267 : memref<!tpu.dma_semaphore, #tpu.memory_space<semaphore_mem>>) src(%dma_wait3A_283 : memref<128xi32, #tpu.memory_space<hbm>>) dst(%dma_wait3A_282 : memref<128xi32, #tpu.memory_space<vmem>>)
      tpu.yield
    }) : () -> ()
    %dma_start3A = arith.constant 0 : i32
    %dma_start3A_22 = arith.constant 0 : i32
    %dma_start3A_23 = arith.constant 0 : i32
    %dma_start3A_24 = tpu.memref_slice %arg11[%dma_start3A_22, %dma_start3A_23] : memref<512x16xf32, #tpu.memory_space<vmem>> -> memref<128x16xf32, #tpu.memory_space<vmem>>
    %dma_start3A_25 = arith.constant 0 : i32
    %dma_start3A_26 = tpu.memref_slice %arg8[%dma_start3A, %dma_start3A_25] : memref<4x128xi32, #tpu.memory_space<vmem>> -> memref<1x128xi32, #tpu.memory_space<vmem>>
    %dma_start3A_27 = tpu.memref_squeeze %dma_start3A_26 : memref<1x128xi32, #tpu.memory_space<vmem>> -> memref<128xi32, #tpu.memory_space<vmem>>
    %dma_start3A_28 = arith.constant 0 : i32
    %dma_start3A_29 = arith.constant 0 : i32
    %dma_start3A_30 = tpu.memref_slice %arg5[%dma_start3A_28, %dma_start3A_29] : memref<1000000x16xf32, #tpu.memory_space<hbm>> -> memref<1000000x16xf32, #tpu.memory_space<hbm>>
    tpu.enqueue_indirect_dma source(%dma_start3A_30 : memref<1000000x16xf32, #tpu.memory_space<hbm>>) target(%dma_start3A_24 : memref<128x16xf32, #tpu.memory_space<vmem>>) offsets(%dma_start3A_27 : memref<128xi32, #tpu.memory_space<vmem>>) semaphore(%arg15 : memref<!tpu.dma_semaphore, #tpu.memory_space<semaphore_mem>>)
    %dma_start3A_31 = arith.constant 0 : i32
    %dma_start3A_32 = arith.constant 0 : i32
    %dma_start3A_33 = arith.constant 0 : i32
    %dma_start3A_34 = tpu.memref_slice %arg12[%dma_start3A_32, %dma_start3A_33] : memref<512x16xf32, #tpu.memory_space<vmem>> -> memref<128x16xf32, #tpu.memory_space<vmem>>
    %dma_start3A_35 = arith.constant 0 : i32
    %dma_start3A_36 = tpu.memref_slice %arg9[%dma_start3A_31, %dma_start3A_35] : memref<4x128xi32, #tpu.memory_space<vmem>> -> memref<1x128xi32, #tpu.memory_space<vmem>>
    %dma_start3A_37 = tpu.memref_squeeze %dma_start3A_36 : memref<1x128xi32, #tpu.memory_space<vmem>> -> memref<128xi32, #tpu.memory_space<vmem>>
    %dma_start3A_38 = arith.constant 0 : i32
    %dma_start3A_39 = arith.constant 0 : i32
    %dma_start3A_40 = tpu.memref_slice %arg6[%dma_start3A_38, %dma_start3A_39] : memref<1000000x16xf32, #tpu.memory_space<hbm>> -> memref<1000000x16xf32, #tpu.memory_space<hbm>>
    tpu.enqueue_indirect_dma source(%dma_start3A_40 : memref<1000000x16xf32, #tpu.memory_space<hbm>>) target(%dma_start3A_34 : memref<128x16xf32, #tpu.memory_space<vmem>>) offsets(%dma_start3A_37 : memref<128xi32, #tpu.memory_space<vmem>>) semaphore(%arg15 : memref<!tpu.dma_semaphore, #tpu.memory_space<semaphore_mem>>)
    %dma_start3A_41 = arith.constant 0 : i32
    %dma_start3A_42 = arith.constant 0 : i32
    %dma_start3A_43 = arith.constant 0 : i32
    %dma_start3A_44 = tpu.memref_slice %arg13[%dma_start3A_42, %dma_start3A_43] : memref<512x16xf32, #tpu.memory_space<vmem>> -> memref<128x16xf32, #tpu.memory_space<vmem>>
    %dma_start3A_45 = arith.constant 0 : i32
    %dma_start3A_46 = tpu.memref_slice %arg10[%dma_start3A_41, %dma_start3A_45] : memref<4x128xi32, #tpu.memory_space<vmem>> -> memref<1x128xi32, #tpu.memory_space<vmem>>
    %dma_start3A_47 = tpu.memref_squeeze %dma_start3A_46 : memref<1x128xi32, #tpu.memory_space<vmem>> -> memref<128xi32, #tpu.memory_space<vmem>>
    %dma_start3A_48 = arith.constant 0 : i32
    %dma_start3A_49 = arith.constant 0 : i32
    %dma_start3A_50 = tpu.memref_slice %arg6[%dma_start3A_48, %dma_start3A_49] : memref<1000000x16xf32, #tpu.memory_space<hbm>> -> memref<1000000x16xf32, #tpu.memory_space<hbm>>
    tpu.enqueue_indirect_dma source(%dma_start3A_50 : memref<1000000x16xf32, #tpu.memory_space<hbm>>) target(%dma_start3A_44 : memref<128x16xf32, #tpu.memory_space<vmem>>) offsets(%dma_start3A_47 : memref<128xi32, #tpu.memory_space<vmem>>) semaphore(%arg15 : memref<!tpu.dma_semaphore, #tpu.memory_space<semaphore_mem>>)
    %dma_start3A_51 = arith.constant 1 : i32
    %dma_start3A_52 = arith.constant 128 : i32
    %dma_start3A_53 = arith.constant 0 : i32
    %dma_start3A_54 = tpu.memref_slice %arg11[%dma_start3A_52, %dma_start3A_53] : memref<512x16xf32, #tpu.memory_space<vmem>> -> memref<128x16xf32, #tpu.memory_space<vmem>>
    %dma_start3A_55 = arith.constant 0 : i32
    %dma_start3A_56 = tpu.memref_slice %arg8[%dma_start3A_51, %dma_start3A_55] : memref<4x128xi32, #tpu.memory_space<vmem>> -> memref<1x128xi32, #tpu.memory_space<vmem>>
    %dma_start3A_57 = tpu.memref_squeeze %dma_start3A_56 : memref<1x128xi32, #tpu.memory_space<vmem>> -> memref<128xi32, #tpu.memory_space<vmem>>
    %dma_start3A_58 = arith.constant 0 : i32
    %dma_start3A_59 = arith.constant 0 : i32
    %dma_start3A_60 = tpu.memref_slice %arg5[%dma_start3A_58, %dma_start3A_59] : memref<1000000x16xf32, #tpu.memory_space<hbm>> -> memref<1000000x16xf32, #tpu.memory_space<hbm>>
    tpu.enqueue_indirect_dma source(%dma_start3A_60 : memref<1000000x16xf32, #tpu.memory_space<hbm>>) target(%dma_start3A_54 : memref<128x16xf32, #tpu.memory_space<vmem>>) offsets(%dma_start3A_57 : memref<128xi32, #tpu.memory_space<vmem>>) semaphore(%arg15 : memref<!tpu.dma_semaphore, #tpu.memory_space<semaphore_mem>>)
    %dma_start3A_61 = arith.constant 1 : i32
    %dma_start3A_62 = arith.constant 128 : i32
    %dma_start3A_63 = arith.constant 0 : i32
    %dma_start3A_64 = tpu.memref_slice %arg12[%dma_start3A_62, %dma_start3A_63] : memref<512x16xf32, #tpu.memory_space<vmem>> -> memref<128x16xf32, #tpu.memory_space<vmem>>
    %dma_start3A_65 = arith.constant 0 : i32
    %dma_start3A_66 = tpu.memref_slice %arg9[%dma_start3A_61, %dma_start3A_65] : memref<4x128xi32, #tpu.memory_space<vmem>> -> memref<1x128xi32, #tpu.memory_space<vmem>>
    %dma_start3A_67 = tpu.memref_squeeze %dma_start3A_66 : memref<1x128xi32, #tpu.memory_space<vmem>> -> memref<128xi32, #tpu.memory_space<vmem>>
    %dma_start3A_68 = arith.constant 0 : i32
    %dma_start3A_69 = arith.constant 0 : i32
    %dma_start3A_70 = tpu.memref_slice %arg6[%dma_start3A_68, %dma_start3A_69] : memref<1000000x16xf32, #tpu.memory_space<hbm>> -> memref<1000000x16xf32, #tpu.memory_space<hbm>>
    tpu.enqueue_indirect_dma source(%dma_start3A_70 : memref<1000000x16xf32, #tpu.memory_space<hbm>>) target(%dma_start3A_64 : memref<128x16xf32, #tpu.memory_space<vmem>>) offsets(%dma_start3A_67 : memref<128xi32, #tpu.memory_space<vmem>>) semaphore(%arg15 : memref<!tpu.dma_semaphore, #tpu.memory_space<semaphore_mem>>)
    %dma_start3A_71 = arith.constant 1 : i32
    %dma_start3A_72 = arith.constant 128 : i32
    %dma_start3A_73 = arith.constant 0 : i32
    %dma_start3A_74 = tpu.memref_slice %arg13[%dma_start3A_72, %dma_start3A_73] : memref<512x16xf32, #tpu.memory_space<vmem>> -> memref<128x16xf32, #tpu.memory_space<vmem>>
    %dma_start3A_75 = arith.constant 0 : i32
    %dma_start3A_76 = tpu.memref_slice %arg10[%dma_start3A_71, %dma_start3A_75] : memref<4x128xi32, #tpu.memory_space<vmem>> -> memref<1x128xi32, #tpu.memory_space<vmem>>
    %dma_start3A_77 = tpu.memref_squeeze %dma_start3A_76 : memref<1x128xi32, #tpu.memory_space<vmem>> -> memref<128xi32, #tpu.memory_space<vmem>>
    %dma_start3A_78 = arith.constant 0 : i32
    %dma_start3A_79 = arith.constant 0 : i32
    %dma_start3A_80 = tpu.memref_slice %arg6[%dma_start3A_78, %dma_start3A_79] : memref<1000000x16xf32, #tpu.memory_space<hbm>> -> memref<1000000x16xf32, #tpu.memory_space<hbm>>
    tpu.enqueue_indirect_dma source(%dma_start3A_80 : memref<1000000x16xf32, #tpu.memory_space<hbm>>) target(%dma_start3A_74 : memref<128x16xf32, #tpu.memory_space<vmem>>) offsets(%dma_start3A_77 : memref<128xi32, #tpu.memory_space<vmem>>) semaphore(%arg15 : memref<!tpu.dma_semaphore, #tpu.memory_space<semaphore_mem>>)
    %dma_start3A_81 = arith.constant 2 : i32
    %dma_start3A_82 = arith.constant 256 : i32
    %dma_start3A_83 = arith.constant 0 : i32
    %dma_start3A_84 = tpu.memref_slice %arg11[%dma_start3A_82, %dma_start3A_83] : memref<512x16xf32, #tpu.memory_space<vmem>> -> memref<128x16xf32, #tpu.memory_space<vmem>>
    %dma_start3A_85 = arith.constant 0 : i32
    %dma_start3A_86 = tpu.memref_slice %arg8[%dma_start3A_81, %dma_start3A_85] : memref<4x128xi32, #tpu.memory_space<vmem>> -> memref<1x128xi32, #tpu.memory_space<vmem>>
    %dma_start3A_87 = tpu.memref_squeeze %dma_start3A_86 : memref<1x128xi32, #tpu.memory_space<vmem>> -> memref<128xi32, #tpu.memory_space<vmem>>
    %dma_start3A_88 = arith.constant 0 : i32
    %dma_start3A_89 = arith.constant 0 : i32
    %dma_start3A_90 = tpu.memref_slice %arg5[%dma_start3A_88, %dma_start3A_89] : memref<1000000x16xf32, #tpu.memory_space<hbm>> -> memref<1000000x16xf32, #tpu.memory_space<hbm>>
    tpu.enqueue_indirect_dma source(%dma_start3A_90 : memref<1000000x16xf32, #tpu.memory_space<hbm>>) target(%dma_start3A_84 : memref<128x16xf32, #tpu.memory_space<vmem>>) offsets(%dma_start3A_87 : memref<128xi32, #tpu.memory_space<vmem>>) semaphore(%arg15 : memref<!tpu.dma_semaphore, #tpu.memory_space<semaphore_mem>>)
    %dma_start3A_91 = arith.constant 2 : i32
    %dma_start3A_92 = arith.constant 256 : i32
    %dma_start3A_93 = arith.constant 0 : i32
    %dma_start3A_94 = tpu.memref_slice %arg12[%dma_start3A_92, %dma_start3A_93] : memref<512x16xf32, #tpu.memory_space<vmem>> -> memref<128x16xf32, #tpu.memory_space<vmem>>
    %dma_start3A_95 = arith.constant 0 : i32
    %dma_start3A_96 = tpu.memref_slice %arg9[%dma_start3A_91, %dma_start3A_95] : memref<4x128xi32, #tpu.memory_space<vmem>> -> memref<1x128xi32, #tpu.memory_space<vmem>>
    %dma_start3A_97 = tpu.memref_squeeze %dma_start3A_96 : memref<1x128xi32, #tpu.memory_space<vmem>> -> memref<128xi32, #tpu.memory_space<vmem>>
    %dma_start3A_98 = arith.constant 0 : i32
    %dma_start3A_99 = arith.constant 0 : i32
    %dma_start3A_100 = tpu.memref_slice %arg6[%dma_start3A_98, %dma_start3A_99] : memref<1000000x16xf32, #tpu.memory_space<hbm>> -> memref<1000000x16xf32, #tpu.memory_space<hbm>>
    tpu.enqueue_indirect_dma source(%dma_start3A_100 : memref<1000000x16xf32, #tpu.memory_space<hbm>>) target(%dma_start3A_94 : memref<128x16xf32, #tpu.memory_space<vmem>>) offsets(%dma_start3A_97 : memref<128xi32, #tpu.memory_space<vmem>>) semaphore(%arg15 : memref<!tpu.dma_semaphore, #tpu.memory_space<semaphore_mem>>)
    %dma_start3A_101 = arith.constant 2 : i32
    %dma_start3A_102 = arith.constant 256 : i32
    %dma_start3A_103 = arith.constant 0 : i32
    %dma_start3A_104 = tpu.memref_slice %arg13[%dma_start3A_102, %dma_start3A_103] : memref<512x16xf32, #tpu.memory_space<vmem>> -> memref<128x16xf32, #tpu.memory_space<vmem>>
    %dma_start3A_105 = arith.constant 0 : i32
    %dma_start3A_106 = tpu.memref_slice %arg10[%dma_start3A_101, %dma_start3A_105] : memref<4x128xi32, #tpu.memory_space<vmem>> -> memref<1x128xi32, #tpu.memory_space<vmem>>
    %dma_start3A_107 = tpu.memref_squeeze %dma_start3A_106 : memref<1x128xi32, #tpu.memory_space<vmem>> -> memref<128xi32, #tpu.memory_space<vmem>>
    %dma_start3A_108 = arith.constant 0 : i32
    %dma_start3A_109 = arith.constant 0 : i32
    %dma_start3A_110 = tpu.memref_slice %arg6[%dma_start3A_108, %dma_start3A_109] : memref<1000000x16xf32, #tpu.memory_space<hbm>> -> memref<1000000x16xf32, #tpu.memory_space<hbm>>
    tpu.enqueue_indirect_dma source(%dma_start3A_110 : memref<1000000x16xf32, #tpu.memory_space<hbm>>) target(%dma_start3A_104 : memref<128x16xf32, #tpu.memory_space<vmem>>) offsets(%dma_start3A_107 : memref<128xi32, #tpu.memory_space<vmem>>) semaphore(%arg15 : memref<!tpu.dma_semaphore, #tpu.memory_space<semaphore_mem>>)
    %dma_start3A_111 = arith.constant 3 : i32
    %dma_start3A_112 = arith.constant 384 : i32
    %dma_start3A_113 = arith.constant 0 : i32
    %dma_start3A_114 = tpu.memref_slice %arg11[%dma_start3A_112, %dma_start3A_113] : memref<512x16xf32, #tpu.memory_space<vmem>> -> memref<128x16xf32, #tpu.memory_space<vmem>>
    %dma_start3A_115 = arith.constant 0 : i32
    %dma_start3A_116 = tpu.memref_slice %arg8[%dma_start3A_111, %dma_start3A_115] : memref<4x128xi32, #tpu.memory_space<vmem>> -> memref<1x128xi32, #tpu.memory_space<vmem>>
    %dma_start3A_117 = tpu.memref_squeeze %dma_start3A_116 : memref<1x128xi32, #tpu.memory_space<vmem>> -> memref<128xi32, #tpu.memory_space<vmem>>
    %dma_start3A_118 = arith.constant 0 : i32
    %dma_start3A_119 = arith.constant 0 : i32
    %dma_start3A_120 = tpu.memref_slice %arg5[%dma_start3A_118, %dma_start3A_119] : memref<1000000x16xf32, #tpu.memory_space<hbm>> -> memref<1000000x16xf32, #tpu.memory_space<hbm>>
    tpu.enqueue_indirect_dma source(%dma_start3A_120 : memref<1000000x16xf32, #tpu.memory_space<hbm>>) target(%dma_start3A_114 : memref<128x16xf32, #tpu.memory_space<vmem>>) offsets(%dma_start3A_117 : memref<128xi32, #tpu.memory_space<vmem>>) semaphore(%arg15 : memref<!tpu.dma_semaphore, #tpu.memory_space<semaphore_mem>>)
    %dma_start3A_121 = arith.constant 3 : i32
    %dma_start3A_122 = arith.constant 384 : i32
    %dma_start3A_123 = arith.constant 0 : i32
    %dma_start3A_124 = tpu.memref_slice %arg12[%dma_start3A_122, %dma_start3A_123] : memref<512x16xf32, #tpu.memory_space<vmem>> -> memref<128x16xf32, #tpu.memory_space<vmem>>
    %dma_start3A_125 = arith.constant 0 : i32
    %dma_start3A_126 = tpu.memref_slice %arg9[%dma_start3A_121, %dma_start3A_125] : memref<4x128xi32, #tpu.memory_space<vmem>> -> memref<1x128xi32, #tpu.memory_space<vmem>>
    %dma_start3A_127 = tpu.memref_squeeze %dma_start3A_126 : memref<1x128xi32, #tpu.memory_space<vmem>> -> memref<128xi32, #tpu.memory_space<vmem>>
    %dma_start3A_128 = arith.constant 0 : i32
    %dma_start3A_129 = arith.constant 0 : i32
    %dma_start3A_130 = tpu.memref_slice %arg6[%dma_start3A_128, %dma_start3A_129] : memref<1000000x16xf32, #tpu.memory_space<hbm>> -> memref<1000000x16xf32, #tpu.memory_space<hbm>>
    tpu.enqueue_indirect_dma source(%dma_start3A_130 : memref<1000000x16xf32, #tpu.memory_space<hbm>>) target(%dma_start3A_124 : memref<128x16xf32, #tpu.memory_space<vmem>>) offsets(%dma_start3A_127 : memref<128xi32, #tpu.memory_space<vmem>>) semaphore(%arg15 : memref<!tpu.dma_semaphore, #tpu.memory_space<semaphore_mem>>)
    %dma_start3A_131 = arith.constant 3 : i32
    %dma_start3A_132 = arith.constant 384 : i32
    %dma_start3A_133 = arith.constant 0 : i32
    %dma_start3A_134 = tpu.memref_slice %arg13[%dma_start3A_132, %dma_start3A_133] : memref<512x16xf32, #tpu.memory_space<vmem>> -> memref<128x16xf32, #tpu.memory_space<vmem>>
    %dma_start3A_135 = arith.constant 0 : i32
    %dma_start3A_136 = tpu.memref_slice %arg10[%dma_start3A_131, %dma_start3A_135] : memref<4x128xi32, #tpu.memory_space<vmem>> -> memref<1x128xi32, #tpu.memory_space<vmem>>
    %dma_start3A_137 = tpu.memref_squeeze %dma_start3A_136 : memref<1x128xi32, #tpu.memory_space<vmem>> -> memref<128xi32, #tpu.memory_space<vmem>>
    %dma_start3A_138 = arith.constant 0 : i32
    %dma_start3A_139 = arith.constant 0 : i32
    %dma_start3A_140 = tpu.memref_slice %arg6[%dma_start3A_138, %dma_start3A_139] : memref<1000000x16xf32, #tpu.memory_space<hbm>> -> memref<1000000x16xf32, #tpu.memory_space<hbm>>
    tpu.enqueue_indirect_dma source(%dma_start3A_140 : memref<1000000x16xf32, #tpu.memory_space<hbm>>) target(%dma_start3A_134 : memref<128x16xf32, #tpu.memory_space<vmem>>) offsets(%dma_start3A_137 : memref<128xi32, #tpu.memory_space<vmem>>) semaphore(%arg15 : memref<!tpu.dma_semaphore, #tpu.memory_space<semaphore_mem>>)
    %dma_wait3A = arith.constant 0 : i32
    %dma_wait3A_141 = arith.constant 0 : i32
    %dma_wait3A_142 = arith.constant 0 : i32
    %dma_wait3A_143 = tpu.memref_slice %arg11[%dma_wait3A_141, %dma_wait3A_142] : memref<512x16xf32, #tpu.memory_space<vmem>> -> memref<128x16xf32, #tpu.memory_space<vmem>>
    %dma_wait3A_144 = arith.constant 0 : i32
    %dma_wait3A_145 = tpu.memref_slice %arg8[%dma_wait3A, %dma_wait3A_144] : memref<4x128xi32, #tpu.memory_space<vmem>> -> memref<1x128xi32, #tpu.memory_space<vmem>>
    %dma_wait3A_146 = tpu.memref_squeeze %dma_wait3A_145 : memref<1x128xi32, #tpu.memory_space<vmem>> -> memref<128xi32, #tpu.memory_space<vmem>>
    %dma_wait3A_147 = arith.constant 0 : i32
    %dma_wait3A_148 = arith.constant 0 : i32
    %dma_wait3A_149 = tpu.memref_slice %arg5[%dma_wait3A_147, %dma_wait3A_148] : memref<1000000x16xf32, #tpu.memory_space<hbm>> -> memref<1000000x16xf32, #tpu.memory_space<hbm>>
    tpu.wait_indirect_dma semaphore(%arg15 : memref<!tpu.dma_semaphore, #tpu.memory_space<semaphore_mem>>) src(%dma_wait3A_149 : memref<1000000x16xf32, #tpu.memory_space<hbm>>) dst(%dma_wait3A_143 : memref<128x16xf32, #tpu.memory_space<vmem>>)
    %dma_wait3A_150 = arith.constant 0 : i32
    %dma_wait3A_151 = arith.constant 0 : i32
    %dma_wait3A_152 = arith.constant 0 : i32
    %dma_wait3A_153 = tpu.memref_slice %arg12[%dma_wait3A_151, %dma_wait3A_152] : memref<512x16xf32, #tpu.memory_space<vmem>> -> memref<128x16xf32, #tpu.memory_space<vmem>>
    %dma_wait3A_154 = arith.constant 0 : i32
    %dma_wait3A_155 = tpu.memref_slice %arg9[%dma_wait3A_150, %dma_wait3A_154] : memref<4x128xi32, #tpu.memory_space<vmem>> -> memref<1x128xi32, #tpu.memory_space<vmem>>
    %dma_wait3A_156 = tpu.memref_squeeze %dma_wait3A_155 : memref<1x128xi32, #tpu.memory_space<vmem>> -> memref<128xi32, #tpu.memory_space<vmem>>
    %dma_wait3A_157 = arith.constant 0 : i32
    %dma_wait3A_158 = arith.constant 0 : i32
    %dma_wait3A_159 = tpu.memref_slice %arg6[%dma_wait3A_157, %dma_wait3A_158] : memref<1000000x16xf32, #tpu.memory_space<hbm>> -> memref<1000000x16xf32, #tpu.memory_space<hbm>>
    tpu.wait_indirect_dma semaphore(%arg15 : memref<!tpu.dma_semaphore, #tpu.memory_space<semaphore_mem>>) src(%dma_wait3A_159 : memref<1000000x16xf32, #tpu.memory_space<hbm>>) dst(%dma_wait3A_153 : memref<128x16xf32, #tpu.memory_space<vmem>>)
    %dma_wait3A_160 = arith.constant 0 : i32
    %dma_wait3A_161 = arith.constant 0 : i32
    %dma_wait3A_162 = arith.constant 0 : i32
    %dma_wait3A_163 = tpu.memref_slice %arg13[%dma_wait3A_161, %dma_wait3A_162] : memref<512x16xf32, #tpu.memory_space<vmem>> -> memref<128x16xf32, #tpu.memory_space<vmem>>
    %dma_wait3A_164 = arith.constant 0 : i32
    %dma_wait3A_165 = tpu.memref_slice %arg10[%dma_wait3A_160, %dma_wait3A_164] : memref<4x128xi32, #tpu.memory_space<vmem>> -> memref<1x128xi32, #tpu.memory_space<vmem>>
    %dma_wait3A_166 = tpu.memref_squeeze %dma_wait3A_165 : memref<1x128xi32, #tpu.memory_space<vmem>> -> memref<128xi32, #tpu.memory_space<vmem>>
    %dma_wait3A_167 = arith.constant 0 : i32
    %dma_wait3A_168 = arith.constant 0 : i32
    %dma_wait3A_169 = tpu.memref_slice %arg6[%dma_wait3A_167, %dma_wait3A_168] : memref<1000000x16xf32, #tpu.memory_space<hbm>> -> memref<1000000x16xf32, #tpu.memory_space<hbm>>
    tpu.wait_indirect_dma semaphore(%arg15 : memref<!tpu.dma_semaphore, #tpu.memory_space<semaphore_mem>>) src(%dma_wait3A_169 : memref<1000000x16xf32, #tpu.memory_space<hbm>>) dst(%dma_wait3A_163 : memref<128x16xf32, #tpu.memory_space<vmem>>)
    %dma_wait3A_170 = arith.constant 1 : i32
    %dma_wait3A_171 = arith.constant 128 : i32
    %dma_wait3A_172 = arith.constant 0 : i32
    %dma_wait3A_173 = tpu.memref_slice %arg11[%dma_wait3A_171, %dma_wait3A_172] : memref<512x16xf32, #tpu.memory_space<vmem>> -> memref<128x16xf32, #tpu.memory_space<vmem>>
    %dma_wait3A_174 = arith.constant 0 : i32
    %dma_wait3A_175 = tpu.memref_slice %arg8[%dma_wait3A_170, %dma_wait3A_174] : memref<4x128xi32, #tpu.memory_space<vmem>> -> memref<1x128xi32, #tpu.memory_space<vmem>>
    %dma_wait3A_176 = tpu.memref_squeeze %dma_wait3A_175 : memref<1x128xi32, #tpu.memory_space<vmem>> -> memref<128xi32, #tpu.memory_space<vmem>>
    %dma_wait3A_177 = arith.constant 0 : i32
    %dma_wait3A_178 = arith.constant 0 : i32
    %dma_wait3A_179 = tpu.memref_slice %arg5[%dma_wait3A_177, %dma_wait3A_178] : memref<1000000x16xf32, #tpu.memory_space<hbm>> -> memref<1000000x16xf32, #tpu.memory_space<hbm>>
    tpu.wait_indirect_dma semaphore(%arg15 : memref<!tpu.dma_semaphore, #tpu.memory_space<semaphore_mem>>) src(%dma_wait3A_179 : memref<1000000x16xf32, #tpu.memory_space<hbm>>) dst(%dma_wait3A_173 : memref<128x16xf32, #tpu.memory_space<vmem>>)
    %dma_wait3A_180 = arith.constant 1 : i32
    %dma_wait3A_181 = arith.constant 128 : i32
    %dma_wait3A_182 = arith.constant 0 : i32
    %dma_wait3A_183 = tpu.memref_slice %arg12[%dma_wait3A_181, %dma_wait3A_182] : memref<512x16xf32, #tpu.memory_space<vmem>> -> memref<128x16xf32, #tpu.memory_space<vmem>>
    %dma_wait3A_184 = arith.constant 0 : i32
    %dma_wait3A_185 = tpu.memref_slice %arg9[%dma_wait3A_180, %dma_wait3A_184] : memref<4x128xi32, #tpu.memory_space<vmem>> -> memref<1x128xi32, #tpu.memory_space<vmem>>
    %dma_wait3A_186 = tpu.memref_squeeze %dma_wait3A_185 : memref<1x128xi32, #tpu.memory_space<vmem>> -> memref<128xi32, #tpu.memory_space<vmem>>
    %dma_wait3A_187 = arith.constant 0 : i32
    %dma_wait3A_188 = arith.constant 0 : i32
    %dma_wait3A_189 = tpu.memref_slice %arg6[%dma_wait3A_187, %dma_wait3A_188] : memref<1000000x16xf32, #tpu.memory_space<hbm>> -> memref<1000000x16xf32, #tpu.memory_space<hbm>>
    tpu.wait_indirect_dma semaphore(%arg15 : memref<!tpu.dma_semaphore, #tpu.memory_space<semaphore_mem>>) src(%dma_wait3A_189 : memref<1000000x16xf32, #tpu.memory_space<hbm>>) dst(%dma_wait3A_183 : memref<128x16xf32, #tpu.memory_space<vmem>>)
    %dma_wait3A_190 = arith.constant 1 : i32
    %dma_wait3A_191 = arith.constant 128 : i32
    %dma_wait3A_192 = arith.constant 0 : i32
    %dma_wait3A_193 = tpu.memref_slice %arg13[%dma_wait3A_191, %dma_wait3A_192] : memref<512x16xf32, #tpu.memory_space<vmem>> -> memref<128x16xf32, #tpu.memory_space<vmem>>
    %dma_wait3A_194 = arith.constant 0 : i32
    %dma_wait3A_195 = tpu.memref_slice %arg10[%dma_wait3A_190, %dma_wait3A_194] : memref<4x128xi32, #tpu.memory_space<vmem>> -> memref<1x128xi32, #tpu.memory_space<vmem>>
    %dma_wait3A_196 = tpu.memref_squeeze %dma_wait3A_195 : memref<1x128xi32, #tpu.memory_space<vmem>> -> memref<128xi32, #tpu.memory_space<vmem>>
    %dma_wait3A_197 = arith.constant 0 : i32
    %dma_wait3A_198 = arith.constant 0 : i32
    %dma_wait3A_199 = tpu.memref_slice %arg6[%dma_wait3A_197, %dma_wait3A_198] : memref<1000000x16xf32, #tpu.memory_space<hbm>> -> memref<1000000x16xf32, #tpu.memory_space<hbm>>
    tpu.wait_indirect_dma semaphore(%arg15 : memref<!tpu.dma_semaphore, #tpu.memory_space<semaphore_mem>>) src(%dma_wait3A_199 : memref<1000000x16xf32, #tpu.memory_space<hbm>>) dst(%dma_wait3A_193 : memref<128x16xf32, #tpu.memory_space<vmem>>)
    %dma_wait3A_200 = arith.constant 2 : i32
    %dma_wait3A_201 = arith.constant 256 : i32
    %dma_wait3A_202 = arith.constant 0 : i32
    %dma_wait3A_203 = tpu.memref_slice %arg11[%dma_wait3A_201, %dma_wait3A_202] : memref<512x16xf32, #tpu.memory_space<vmem>> -> memref<128x16xf32, #tpu.memory_space<vmem>>
    %dma_wait3A_204 = arith.constant 0 : i32
    %dma_wait3A_205 = tpu.memref_slice %arg8[%dma_wait3A_200, %dma_wait3A_204] : memref<4x128xi32, #tpu.memory_space<vmem>> -> memref<1x128xi32, #tpu.memory_space<vmem>>
    %dma_wait3A_206 = tpu.memref_squeeze %dma_wait3A_205 : memref<1x128xi32, #tpu.memory_space<vmem>> -> memref<128xi32, #tpu.memory_space<vmem>>
    %dma_wait3A_207 = arith.constant 0 : i32
    %dma_wait3A_208 = arith.constant 0 : i32
    %dma_wait3A_209 = tpu.memref_slice %arg5[%dma_wait3A_207, %dma_wait3A_208] : memref<1000000x16xf32, #tpu.memory_space<hbm>> -> memref<1000000x16xf32, #tpu.memory_space<hbm>>
    tpu.wait_indirect_dma semaphore(%arg15 : memref<!tpu.dma_semaphore, #tpu.memory_space<semaphore_mem>>) src(%dma_wait3A_209 : memref<1000000x16xf32, #tpu.memory_space<hbm>>) dst(%dma_wait3A_203 : memref<128x16xf32, #tpu.memory_space<vmem>>)
    %dma_wait3A_210 = arith.constant 2 : i32
    %dma_wait3A_211 = arith.constant 256 : i32
    %dma_wait3A_212 = arith.constant 0 : i32
    %dma_wait3A_213 = tpu.memref_slice %arg12[%dma_wait3A_211, %dma_wait3A_212] : memref<512x16xf32, #tpu.memory_space<vmem>> -> memref<128x16xf32, #tpu.memory_space<vmem>>
    %dma_wait3A_214 = arith.constant 0 : i32
    %dma_wait3A_215 = tpu.memref_slice %arg9[%dma_wait3A_210, %dma_wait3A_214] : memref<4x128xi32, #tpu.memory_space<vmem>> -> memref<1x128xi32, #tpu.memory_space<vmem>>
    %dma_wait3A_216 = tpu.memref_squeeze %dma_wait3A_215 : memref<1x128xi32, #tpu.memory_space<vmem>> -> memref<128xi32, #tpu.memory_space<vmem>>
    %dma_wait3A_217 = arith.constant 0 : i32
    %dma_wait3A_218 = arith.constant 0 : i32
    %dma_wait3A_219 = tpu.memref_slice %arg6[%dma_wait3A_217, %dma_wait3A_218] : memref<1000000x16xf32, #tpu.memory_space<hbm>> -> memref<1000000x16xf32, #tpu.memory_space<hbm>>
    tpu.wait_indirect_dma semaphore(%arg15 : memref<!tpu.dma_semaphore, #tpu.memory_space<semaphore_mem>>) src(%dma_wait3A_219 : memref<1000000x16xf32, #tpu.memory_space<hbm>>) dst(%dma_wait3A_213 : memref<128x16xf32, #tpu.memory_space<vmem>>)
    %dma_wait3A_220 = arith.constant 2 : i32
    %dma_wait3A_221 = arith.constant 256 : i32
    %dma_wait3A_222 = arith.constant 0 : i32
    %dma_wait3A_223 = tpu.memref_slice %arg13[%dma_wait3A_221, %dma_wait3A_222] : memref<512x16xf32, #tpu.memory_space<vmem>> -> memref<128x16xf32, #tpu.memory_space<vmem>>
    %dma_wait3A_224 = arith.constant 0 : i32
    %dma_wait3A_225 = tpu.memref_slice %arg10[%dma_wait3A_220, %dma_wait3A_224] : memref<4x128xi32, #tpu.memory_space<vmem>> -> memref<1x128xi32, #tpu.memory_space<vmem>>
    %dma_wait3A_226 = tpu.memref_squeeze %dma_wait3A_225 : memref<1x128xi32, #tpu.memory_space<vmem>> -> memref<128xi32, #tpu.memory_space<vmem>>
    %dma_wait3A_227 = arith.constant 0 : i32
    %dma_wait3A_228 = arith.constant 0 : i32
    %dma_wait3A_229 = tpu.memref_slice %arg6[%dma_wait3A_227, %dma_wait3A_228] : memref<1000000x16xf32, #tpu.memory_space<hbm>> -> memref<1000000x16xf32, #tpu.memory_space<hbm>>
    tpu.wait_indirect_dma semaphore(%arg15 : memref<!tpu.dma_semaphore, #tpu.memory_space<semaphore_mem>>) src(%dma_wait3A_229 : memref<1000000x16xf32, #tpu.memory_space<hbm>>) dst(%dma_wait3A_223 : memref<128x16xf32, #tpu.memory_space<vmem>>)
    %dma_wait3A_230 = arith.constant 3 : i32
    %dma_wait3A_231 = arith.constant 384 : i32
    %dma_wait3A_232 = arith.constant 0 : i32
    %dma_wait3A_233 = tpu.memref_slice %arg11[%dma_wait3A_231, %dma_wait3A_232] : memref<512x16xf32, #tpu.memory_space<vmem>> -> memref<128x16xf32, #tpu.memory_space<vmem>>
    %dma_wait3A_234 = arith.constant 0 : i32
    %dma_wait3A_235 = tpu.memref_slice %arg8[%dma_wait3A_230, %dma_wait3A_234] : memref<4x128xi32, #tpu.memory_space<vmem>> -> memref<1x128xi32, #tpu.memory_space<vmem>>
    %dma_wait3A_236 = tpu.memref_squeeze %dma_wait3A_235 : memref<1x128xi32, #tpu.memory_space<vmem>> -> memref<128xi32, #tpu.memory_space<vmem>>
    %dma_wait3A_237 = arith.constant 0 : i32
    %dma_wait3A_238 = arith.constant 0 : i32
    %dma_wait3A_239 = tpu.memref_slice %arg5[%dma_wait3A_237, %dma_wait3A_238] : memref<1000000x16xf32, #tpu.memory_space<hbm>> -> memref<1000000x16xf32, #tpu.memory_space<hbm>>
    tpu.wait_indirect_dma semaphore(%arg15 : memref<!tpu.dma_semaphore, #tpu.memory_space<semaphore_mem>>) src(%dma_wait3A_239 : memref<1000000x16xf32, #tpu.memory_space<hbm>>) dst(%dma_wait3A_233 : memref<128x16xf32, #tpu.memory_space<vmem>>)
    %dma_wait3A_240 = arith.constant 3 : i32
    %dma_wait3A_241 = arith.constant 384 : i32
    %dma_wait3A_242 = arith.constant 0 : i32
    %dma_wait3A_243 = tpu.memref_slice %arg12[%dma_wait3A_241, %dma_wait3A_242] : memref<512x16xf32, #tpu.memory_space<vmem>> -> memref<128x16xf32, #tpu.memory_space<vmem>>
    %dma_wait3A_244 = arith.constant 0 : i32
    %dma_wait3A_245 = tpu.memref_slice %arg9[%dma_wait3A_240, %dma_wait3A_244] : memref<4x128xi32, #tpu.memory_space<vmem>> -> memref<1x128xi32, #tpu.memory_space<vmem>>
    %dma_wait3A_246 = tpu.memref_squeeze %dma_wait3A_245 : memref<1x128xi32, #tpu.memory_space<vmem>> -> memref<128xi32, #tpu.memory_space<vmem>>
    %dma_wait3A_247 = arith.constant 0 : i32
    %dma_wait3A_248 = arith.constant 0 : i32
    %dma_wait3A_249 = tpu.memref_slice %arg6[%dma_wait3A_247, %dma_wait3A_248] : memref<1000000x16xf32, #tpu.memory_space<hbm>> -> memref<1000000x16xf32, #tpu.memory_space<hbm>>
    tpu.wait_indirect_dma semaphore(%arg15 : memref<!tpu.dma_semaphore, #tpu.memory_space<semaphore_mem>>) src(%dma_wait3A_249 : memref<1000000x16xf32, #tpu.memory_space<hbm>>) dst(%dma_wait3A_243 : memref<128x16xf32, #tpu.memory_space<vmem>>)
    %dma_wait3A_250 = arith.constant 3 : i32
    %dma_wait3A_251 = arith.constant 384 : i32
    %dma_wait3A_252 = arith.constant 0 : i32
    %dma_wait3A_253 = tpu.memref_slice %arg13[%dma_wait3A_251, %dma_wait3A_252] : memref<512x16xf32, #tpu.memory_space<vmem>> -> memref<128x16xf32, #tpu.memory_space<vmem>>
    %dma_wait3A_254 = arith.constant 0 : i32
    %dma_wait3A_255 = tpu.memref_slice %arg10[%dma_wait3A_250, %dma_wait3A_254] : memref<4x128xi32, #tpu.memory_space<vmem>> -> memref<1x128xi32, #tpu.memory_space<vmem>>
    %dma_wait3A_256 = tpu.memref_squeeze %dma_wait3A_255 : memref<1x128xi32, #tpu.memory_space<vmem>> -> memref<128xi32, #tpu.memory_space<vmem>>
    %dma_wait3A_257 = arith.constant 0 : i32
    %dma_wait3A_258 = arith.constant 0 : i32
    %dma_wait3A_259 = tpu.memref_slice %arg6[%dma_wait3A_257, %dma_wait3A_258] : memref<1000000x16xf32, #tpu.memory_space<hbm>> -> memref<1000000x16xf32, #tpu.memory_space<hbm>>
    tpu.wait_indirect_dma semaphore(%arg15 : memref<!tpu.dma_semaphore, #tpu.memory_space<semaphore_mem>>) src(%dma_wait3A_259 : memref<1000000x16xf32, #tpu.memory_space<hbm>>) dst(%dma_wait3A_253 : memref<128x16xf32, #tpu.memory_space<vmem>>)
    %iota3A = tpu.iota {dimensions = array<i32: 0>} : vector<16xi32>
    %broadcast_in_dim3A = arith.constant 0.000000e+00 : f32
    %broadcast_in_dim3A_260 = vector.broadcast %broadcast_in_dim3A : f32 to vector<16xf32>
    %scan3A = arith.constant 0 : i32
    %scan3A_261 = arith.constant 32 : i32
    %scan3A_262 = arith.addi %scan3A, %scan3A_261 : i32
    %scan3A_263 = arith.constant 1 : i32
    %scan3A_264 = scf.for %scan3A_267 = %scan3A to %scan3A_262 step %scan3A_263 iter_args(%scan3A_268 = %broadcast_in_dim3A_260) -> (vector<16xf32>)  : i32 {
      %mul3A_269 = arith.constant 16 : i32
      %mul3A_270 = arith.muli %scan3A_267, %mul3A_269 : i32
      %add3A_271 = vector.broadcast %mul3A_270 : i32 to vector<16xi32>
      %add3A_272 = arith.addi %iota3A, %add3A_271 : vector<16xi32>
      %broadcast_in_dim3A_273 = arith.constant 0.000000e+00 : f32
      %broadcast_in_dim3A_274 = vector.broadcast %broadcast_in_dim3A_273 : f32 to vector<16xf32>
      %broadcast_in_dim3A_275 = arith.constant 0 : i32
      %broadcast_in_dim3A_276 = vector.broadcast %broadcast_in_dim3A_275 : i32 to vector<16xi32>
      %gather3A = tpu.vector_load_idx %arg11[%add3A_272, %broadcast_in_dim3A_276] : memref<512x16xf32, #tpu.memory_space<vmem>>[vector<16xi32>, vector<16xi32>], vector<16xf32>,
      %gather3A_277 = tpu.vector_load_idx %arg12[%add3A_272, %broadcast_in_dim3A_276] : memref<512x16xf32, #tpu.memory_space<vmem>>[vector<16xi32>, vector<16xi32>], vector<16xf32>,
      %gather3A_278 = tpu.vector_load_idx %arg13[%add3A_272, %broadcast_in_dim3A_276] : memref<512x16xf32, #tpu.memory_space<vmem>>[vector<16xi32>, vector<16xi32>], vector<16xf32>,
      %sub3A = arith.subf %gather3A_278, %gather3A_277 : vector<16xf32>
      %mul3A_279 = arith.mulf %gather3A, %sub3A : vector<16xf32>
      %add3A_280 = arith.addf %broadcast_in_dim3A_274, %mul3A_279 : vector<16xf32>
      %broadcast_in_dim3A_281 = arith.constant 1 : i32
      %broadcast_in_dim3A_282 = vector.broadcast %broadcast_in_dim3A_281 : i32 to vector<16xi32>
      %gather3A_283 = tpu.vector_load_idx %arg11[%add3A_272, %broadcast_in_dim3A_282] : memref<512x16xf32, #tpu.memory_space<vmem>>[vector<16xi32>, vector<16xi32>], vector<16xf32>,
      %gather3A_284 = tpu.vector_load_idx %arg12[%add3A_272, %broadcast_in_dim3A_282] : memref<512x16xf32, #tpu.memory_space<vmem>>[vector<16xi32>, vector<16xi32>], vector<16xf32>,
      %gather3A_285 = tpu.vector_load_idx %arg13[%add3A_272, %broadcast_in_dim3A_282] : memref<512x16xf32, #tpu.memory_space<vmem>>[vector<16xi32>, vector<16xi32>], vector<16xf32>,
      %sub3A_286 = arith.subf %gather3A_285, %gather3A_284 : vector<16xf32>
      %mul3A_287 = arith.mulf %gather3A_283, %sub3A_286 : vector<16xf32>
      %add3A_288 = arith.addf %add3A_280, %mul3A_287 : vector<16xf32>
      %broadcast_in_dim3A_289 = arith.constant 2 : i32
      %broadcast_in_dim3A_290 = vector.broadcast %broadcast_in_dim3A_289 : i32 to vector<16xi32>
      %gather3A_291 = tpu.vector_load_idx %arg11[%add3A_272, %broadcast_in_dim3A_290] : memref<512x16xf32, #tpu.memory_space<vmem>>[vector<16xi32>, vector<16xi32>], vector<16xf32>,
      %gather3A_292 = tpu.vector_load_idx %arg12[%add3A_272, %broadcast_in_dim3A_290] : memref<512x16xf32, #tpu.memory_space<vmem>>[vector<16xi32>, vector<16xi32>], vector<16xf32>,
      %gather3A_293 = tpu.vector_load_idx %arg13[%add3A_272, %broadcast_in_dim3A_290] : memref<512x16xf32, #tpu.memory_space<vmem>>[vector<16xi32>, vector<16xi32>], vector<16xf32>,
      %sub3A_294 = arith.subf %gather3A_293, %gather3A_292 : vector<16xf32>
      %mul3A_295 = arith.mulf %gather3A_291, %sub3A_294 : vector<16xf32>
      %add3A_296 = arith.addf %add3A_288, %mul3A_295 : vector<16xf32>
      %broadcast_in_dim3A_297 = arith.constant 3 : i32
      %broadcast_in_dim3A_298 = vector.broadcast %broadcast_in_dim3A_297 : i32 to vector<16xi32>
      %gather3A_299 = tpu.vector_load_idx %arg11[%add3A_272, %broadcast_in_dim3A_298] : memref<512x16xf32, #tpu.memory_space<vmem>>[vector<16xi32>, vector<16xi32>], vector<16xf32>,
      %gather3A_300 = tpu.vector_load_idx %arg12[%add3A_272, %broadcast_in_dim3A_298] : memref<512x16xf32, #tpu.memory_space<vmem>>[vector<16xi32>, vector<16xi32>], vector<16xf32>,
      %gather3A_301 = tpu.vector_load_idx %arg13[%add3A_272, %broadcast_in_dim3A_298] : memref<512x16xf32, #tpu.memory_space<vmem>>[vector<16xi32>, vector<16xi32>], vector<16xf32>,
      %sub3A_302 = arith.subf %gather3A_301, %gather3A_300 : vector<16xf32>
      %mul3A_303 = arith.mulf %gather3A_299, %sub3A_302 : vector<16xf32>
      %add3A_304 = arith.addf %add3A_296, %mul3A_303 : vector<16xf32>
      %broadcast_in_dim3A_305 = arith.constant 4 : i32
      %broadcast_in_dim3A_306 = vector.broadcast %broadcast_in_dim3A_305 : i32 to vector<16xi32>
      %gather3A_307 = tpu.vector_load_idx %arg11[%add3A_272, %broadcast_in_dim3A_306] : memref<512x16xf32, #tpu.memory_space<vmem>>[vector<16xi32>, vector<16xi32>], vector<16xf32>,
      %gather3A_308 = tpu.vector_load_idx %arg12[%add3A_272, %broadcast_in_dim3A_306] : memref<512x16xf32, #tpu.memory_space<vmem>>[vector<16xi32>, vector<16xi32>], vector<16xf32>,
      %gather3A_309 = tpu.vector_load_idx %arg13[%add3A_272, %broadcast_in_dim3A_306] : memref<512x16xf32, #tpu.memory_space<vmem>>[vector<16xi32>, vector<16xi32>], vector<16xf32>,
      %sub3A_310 = arith.subf %gather3A_309, %gather3A_308 : vector<16xf32>
      %mul3A_311 = arith.mulf %gather3A_307, %sub3A_310 : vector<16xf32>
      %add3A_312 = arith.addf %add3A_304, %mul3A_311 : vector<16xf32>
      %broadcast_in_dim3A_313 = arith.constant 5 : i32
      %broadcast_in_dim3A_314 = vector.broadcast %broadcast_in_dim3A_313 : i32 to vector<16xi32>
      %gather3A_315 = tpu.vector_load_idx %arg11[%add3A_272, %broadcast_in_dim3A_314] : memref<512x16xf32, #tpu.memory_space<vmem>>[vector<16xi32>, vector<16xi32>], vector<16xf32>,
      %gather3A_316 = tpu.vector_load_idx %arg12[%add3A_272, %broadcast_in_dim3A_314] : memref<512x16xf32, #tpu.memory_space<vmem>>[vector<16xi32>, vector<16xi32>], vector<16xf32>,
      %gather3A_317 = tpu.vector_load_idx %arg13[%add3A_272, %broadcast_in_dim3A_314] : memref<512x16xf32, #tpu.memory_space<vmem>>[vector<16xi32>, vector<16xi32>], vector<16xf32>,
      %sub3A_318 = arith.subf %gather3A_317, %gather3A_316 : vector<16xf32>
      %mul3A_319 = arith.mulf %gather3A_315, %sub3A_318 : vector<16xf32>
      %add3A_320 = arith.addf %add3A_312, %mul3A_319 : vector<16xf32>
      %broadcast_in_dim3A_321 = arith.constant 6 : i32
      %broadcast_in_dim3A_322 = vector.broadcast %broadcast_in_dim3A_321 : i32 to vector<16xi32>
      %gather3A_323 = tpu.vector_load_idx %arg11[%add3A_272, %broadcast_in_dim3A_322] : memref<512x16xf32, #tpu.memory_space<vmem>>[vector<16xi32>, vector<16xi32>], vector<16xf32>,
      %gather3A_324 = tpu.vector_load_idx %arg12[%add3A_272, %broadcast_in_dim3A_322] : memref<512x16xf32, #tpu.memory_space<vmem>>[vector<16xi32>, vector<16xi32>], vector<16xf32>,
      %gather3A_325 = tpu.vector_load_idx %arg13[%add3A_272, %broadcast_in_dim3A_322] : memref<512x16xf32, #tpu.memory_space<vmem>>[vector<16xi32>, vector<16xi32>], vector<16xf32>,
      %sub3A_326 = arith.subf %gather3A_325, %gather3A_324 : vector<16xf32>
      %mul3A_327 = arith.mulf %gather3A_323, %sub3A_326 : vector<16xf32>
      %add3A_328 = arith.addf %add3A_320, %mul3A_327 : vector<16xf32>
      %broadcast_in_dim3A_329 = arith.constant 7 : i32
      %broadcast_in_dim3A_330 = vector.broadcast %broadcast_in_dim3A_329 : i32 to vector<16xi32>
      %gather3A_331 = tpu.vector_load_idx %arg11[%add3A_272, %broadcast_in_dim3A_330] : memref<512x16xf32, #tpu.memory_space<vmem>>[vector<16xi32>, vector<16xi32>], vector<16xf32>,
      %gather3A_332 = tpu.vector_load_idx %arg12[%add3A_272, %broadcast_in_dim3A_330] : memref<512x16xf32, #tpu.memory_space<vmem>>[vector<16xi32>, vector<16xi32>], vector<16xf32>,
      %gather3A_333 = tpu.vector_load_idx %arg13[%add3A_272, %broadcast_in_dim3A_330] : memref<512x16xf32, #tpu.memory_space<vmem>>[vector<16xi32>, vector<16xi32>], vector<16xf32>,
      %sub3A_334 = arith.subf %gather3A_333, %gather3A_332 : vector<16xf32>
      %mul3A_335 = arith.mulf %gather3A_331, %sub3A_334 : vector<16xf32>
      %add3A_336 = arith.addf %add3A_328, %mul3A_335 : vector<16xf32>
      %broadcast_in_dim3A_337 = arith.constant 8 : i32
      %broadcast_in_dim3A_338 = vector.broadcast %broadcast_in_dim3A_337 : i32 to vector<16xi32>
      %gather3A_339 = tpu.vector_load_idx %arg11[%add3A_272, %broadcast_in_dim3A_338] : memref<512x16xf32, #tpu.memory_space<vmem>>[vector<16xi32>, vector<16xi32>], vector<16xf32>,
      %gather3A_340 = tpu.vector_load_idx %arg12[%add3A_272, %broadcast_in_dim3A_338] : memref<512x16xf32, #tpu.memory_space<vmem>>[vector<16xi32>, vector<16xi32>], vector<16xf32>,
      %gather3A_341 = tpu.vector_load_idx %arg13[%add3A_272, %broadcast_in_dim3A_338] : memref<512x16xf32, #tpu.memory_space<vmem>>[vector<16xi32>, vector<16xi32>], vector<16xf32>,
      %sub3A_342 = arith.subf %gather3A_341, %gather3A_340 : vector<16xf32>
      %mul3A_343 = arith.mulf %gather3A_339, %sub3A_342 : vector<16xf32>
      %add3A_344 = arith.addf %add3A_336, %mul3A_343 : vector<16xf32>
      %broadcast_in_dim3A_345 = arith.constant 9 : i32
      %broadcast_in_dim3A_346 = vector.broadcast %broadcast_in_dim3A_345 : i32 to vector<16xi32>
      %gather3A_347 = tpu.vector_load_idx %arg11[%add3A_272, %broadcast_in_dim3A_346] : memref<512x16xf32, #tpu.memory_space<vmem>>[vector<16xi32>, vector<16xi32>], vector<16xf32>,
      %gather3A_348 = tpu.vector_load_idx %arg12[%add3A_272, %broadcast_in_dim3A_346] : memref<512x16xf32, #tpu.memory_space<vmem>>[vector<16xi32>, vector<16xi32>], vector<16xf32>,
      %gather3A_349 = tpu.vector_load_idx %arg13[%add3A_272, %broadcast_in_dim3A_346] : memref<512x16xf32, #tpu.memory_space<vmem>>[vector<16xi32>, vector<16xi32>], vector<16xf32>,
      %sub3A_350 = arith.subf %gather3A_349, %gather3A_348 : vector<16xf32>
      %mul3A_351 = arith.mulf %gather3A_347, %sub3A_350 : vector<16xf32>
      %add3A_352 = arith.addf %add3A_344, %mul3A_351 : vector<16xf32>
      %broadcast_in_dim3A_353 = arith.constant 10 : i32
      %broadcast_in_dim3A_354 = vector.broadcast %broadcast_in_dim3A_353 : i32 to vector<16xi32>
      %gather3A_355 = tpu.vector_load_idx %arg11[%add3A_272, %broadcast_in_dim3A_354] : memref<512x16xf32, #tpu.memory_space<vmem>>[vector<16xi32>, vector<16xi32>], vector<16xf32>,
      %gather3A_356 = tpu.vector_load_idx %arg12[%add3A_272, %broadcast_in_dim3A_354] : memref<512x16xf32, #tpu.memory_space<vmem>>[vector<16xi32>, vector<16xi32>], vector<16xf32>,
      %gather3A_357 = tpu.vector_load_idx %arg13[%add3A_272, %broadcast_in_dim3A_354] : memref<512x16xf32, #tpu.memory_space<vmem>>[vector<16xi32>, vector<16xi32>], vector<16xf32>,
      %sub3A_358 = arith.subf %gather3A_357, %gather3A_356 : vector<16xf32>
      %mul3A_359 = arith.mulf %gather3A_355, %sub3A_358 : vector<16xf32>
      %add3A_360 = arith.addf %add3A_352, %mul3A_359 : vector<16xf32>
      %broadcast_in_dim3A_361 = arith.constant 11 : i32
      %broadcast_in_dim3A_362 = vector.broadcast %broadcast_in_dim3A_361 : i32 to vector<16xi32>
      %gather3A_363 = tpu.vector_load_idx %arg11[%add3A_272, %broadcast_in_dim3A_362] : memref<512x16xf32, #tpu.memory_space<vmem>>[vector<16xi32>, vector<16xi32>], vector<16xf32>,
      %gather3A_364 = tpu.vector_load_idx %arg12[%add3A_272, %broadcast_in_dim3A_362] : memref<512x16xf32, #tpu.memory_space<vmem>>[vector<16xi32>, vector<16xi32>], vector<16xf32>,
      %gather3A_365 = tpu.vector_load_idx %arg13[%add3A_272, %broadcast_in_dim3A_362] : memref<512x16xf32, #tpu.memory_space<vmem>>[vector<16xi32>, vector<16xi32>], vector<16xf32>,
      %sub3A_366 = arith.subf %gather3A_365, %gather3A_364 : vector<16xf32>
      %mul3A_367 = arith.mulf %gather3A_363, %sub3A_366 : vector<16xf32>
      %add3A_368 = arith.addf %add3A_360, %mul3A_367 : vector<16xf32>
      %broadcast_in_dim3A_369 = arith.constant 12 : i32
      %broadcast_in_dim3A_370 = vector.broadcast %broadcast_in_dim3A_369 : i32 to vector<16xi32>
      %gather3A_371 = tpu.vector_load_idx %arg11[%add3A_272, %broadcast_in_dim3A_370] : memref<512x16xf32, #tpu.memory_space<vmem>>[vector<16xi32>, vector<16xi32>], vector<16xf32>,
      %gather3A_372 = tpu.vector_load_idx %arg12[%add3A_272, %broadcast_in_dim3A_370] : memref<512x16xf32, #tpu.memory_space<vmem>>[vector<16xi32>, vector<16xi32>], vector<16xf32>,
      %gather3A_373 = tpu.vector_load_idx %arg13[%add3A_272, %broadcast_in_dim3A_370] : memref<512x16xf32, #tpu.memory_space<vmem>>[vector<16xi32>, vector<16xi32>], vector<16xf32>,
      %sub3A_374 = arith.subf %gather3A_373, %gather3A_372 : vector<16xf32>
      %mul3A_375 = arith.mulf %gather3A_371, %sub3A_374 : vector<16xf32>
      %add3A_376 = arith.addf %add3A_368, %mul3A_375 : vector<16xf32>
      %broadcast_in_dim3A_377 = arith.constant 13 : i32
      %broadcast_in_dim3A_378 = vector.broadcast %broadcast_in_dim3A_377 : i32 to vector<16xi32>
      %gather3A_379 = tpu.vector_load_idx %arg11[%add3A_272, %broadcast_in_dim3A_378] : memref<512x16xf32, #tpu.memory_space<vmem>>[vector<16xi32>, vector<16xi32>], vector<16xf32>,
      %gather3A_380 = tpu.vector_load_idx %arg12[%add3A_272, %broadcast_in_dim3A_378] : memref<512x16xf32, #tpu.memory_space<vmem>>[vector<16xi32>, vector<16xi32>], vector<16xf32>,
      %gather3A_381 = tpu.vector_load_idx %arg13[%add3A_272, %broadcast_in_dim3A_378] : memref<512x16xf32, #tpu.memory_space<vmem>>[vector<16xi32>, vector<16xi32>], vector<16xf32>,
      %sub3A_382 = arith.subf %gather3A_381, %gather3A_380 : vector<16xf32>
      %mul3A_383 = arith.mulf %gather3A_379, %sub3A_382 : vector<16xf32>
      %add3A_384 = arith.addf %add3A_376, %mul3A_383 : vector<16xf32>
      %broadcast_in_dim3A_385 = arith.constant 14 : i32
      %broadcast_in_dim3A_386 = vector.broadcast %broadcast_in_dim3A_385 : i32 to vector<16xi32>
      %gather3A_387 = tpu.vector_load_idx %arg11[%add3A_272, %broadcast_in_dim3A_386] : memref<512x16xf32, #tpu.memory_space<vmem>>[vector<16xi32>, vector<16xi32>], vector<16xf32>,
      %gather3A_388 = tpu.vector_load_idx %arg12[%add3A_272, %broadcast_in_dim3A_386] : memref<512x16xf32, #tpu.memory_space<vmem>>[vector<16xi32>, vector<16xi32>], vector<16xf32>,
      %gather3A_389 = tpu.vector_load_idx %arg13[%add3A_272, %broadcast_in_dim3A_386] : memref<512x16xf32, #tpu.memory_space<vmem>>[vector<16xi32>, vector<16xi32>], vector<16xf32>,
      %sub3A_390 = arith.subf %gather3A_389, %gather3A_388 : vector<16xf32>
      %mul3A_391 = arith.mulf %gather3A_387, %sub3A_390 : vector<16xf32>
      %add3A_392 = arith.addf %add3A_384, %mul3A_391 : vector<16xf32>
      %broadcast_in_dim3A_393 = arith.constant 15 : i32
      %broadcast_in_dim3A_394 = vector.broadcast %broadcast_in_dim3A_393 : i32 to vector<16xi32>
      %gather3A_395 = tpu.vector_load_idx %arg11[%add3A_272, %broadcast_in_dim3A_394] : memref<512x16xf32, #tpu.memory_space<vmem>>[vector<16xi32>, vector<16xi32>], vector<16xf32>,
      %gather3A_396 = tpu.vector_load_idx %arg12[%add3A_272, %broadcast_in_dim3A_394] : memref<512x16xf32, #tpu.memory_space<vmem>>[vector<16xi32>, vector<16xi32>], vector<16xf32>,
      %gather3A_397 = tpu.vector_load_idx %arg13[%add3A_272, %broadcast_in_dim3A_394] : memref<512x16xf32, #tpu.memory_space<vmem>>[vector<16xi32>, vector<16xi32>], vector<16xf32>,
      %sub3A_398 = arith.subf %gather3A_397, %gather3A_396 : vector<16xf32>
      %mul3A_399 = arith.mulf %gather3A_395, %sub3A_398 : vector<16xf32>
      %add3A_400 = arith.addf %add3A_392, %mul3A_399 : vector<16xf32>
      %neg3A = arith.constant 0.000000e+00 : f32
      %neg3A_401 = vector.broadcast %neg3A : f32 to vector<16xf32>
      %neg3A_402 = arith.subf %neg3A_401, %add3A_400 : vector<16xf32>
      %exp3A = math.exp %neg3A_402 : vector<16xf32>
      %add3A_403 = arith.constant 1.000000e+00 : f32
      %add3A_404 = vector.broadcast %add3A_403 : f32 to vector<16xf32>
      %add3A_405 = arith.addf %add3A_404, %exp3A : vector<16xf32>
      %div3A = arith.constant 1.000000e+00 : f32
      %div3A_406 = vector.broadcast %div3A : f32 to vector<16xf32>
      %div3A_407 = arith.divf %div3A_406, %add3A_405 : vector<16xf32>
      %add3A_408 = arith.addf %scan3A_268, %div3A_407 : vector<16xf32>
      scf.yield %add3A_408 : vector<16xf32>
    }
    %scan3A_265 = arith.constant 32 : i32
    %swap3A = arith.constant 0 : index
    %swap3A_266 = tpu.vector_load %arg14[%swap3A] {strides = array<i32>} : memref<16xf32, #tpu.memory_space<vmem>>, vector<16xf32>,
    tpu.vector_store %arg14[%swap3A], %scan3A_264 {strides = array<i32>} : memref<16xf32, #tpu.memory_space<vmem>>, vector<16xf32>,
    "tpu.region"() ({
      %run_scoped3A_267 = tpu.sem_alloc : memref<!tpu.dma_semaphore, #tpu.memory_space<semaphore_mem>>
      %dma_start3A_268 = arith.constant 0 : i32
      %dma_start3A_269 = tpu.memref_slice %arg7[%add3A, %dma_start3A_268] : memref<32x16xf32, #tpu.memory_space<hbm>> -> memref<1x16xf32, #tpu.memory_space<hbm>>
      %dma_start3A_270 = tpu.memref_squeeze %dma_start3A_269 : memref<1x16xf32, #tpu.memory_space<hbm>> -> memref<16xf32, #tpu.memory_space<hbm>>
      %dma_start3A_271 = arith.constant 0 : i32
      %dma_start3A_272 = tpu.memref_slice %arg7[%add3A, %dma_start3A_271] : memref<32x16xf32, #tpu.memory_space<hbm>> -> memref<1x16xf32, #tpu.memory_space<hbm>>
      %dma_start3A_273 = tpu.memref_squeeze %dma_start3A_272 : memref<1x16xf32, #tpu.memory_space<hbm>> -> memref<16xf32, #tpu.memory_space<hbm>>
      tpu.enqueue_dma source(%arg14 : memref<16xf32, #tpu.memory_space<vmem>>) target(%dma_start3A_273 : memref<16xf32, #tpu.memory_space<hbm>>) target_semaphore(%run_scoped3A_267 : memref<!tpu.dma_semaphore, #tpu.memory_space<semaphore_mem>>)
      %dma_wait3A_274 = arith.constant 0 : i32
      %dma_wait3A_275 = tpu.memref_slice %arg7[%add3A, %dma_wait3A_274] : memref<32x16xf32, #tpu.memory_space<hbm>> -> memref<1x16xf32, #tpu.memory_space<hbm>>
      %dma_wait3A_276 = tpu.memref_squeeze %dma_wait3A_275 : memref<1x16xf32, #tpu.memory_space<hbm>> -> memref<16xf32, #tpu.memory_space<hbm>>
      %dma_wait3A_277 = arith.constant 0 : i32
      %dma_wait3A_278 = tpu.memref_slice %arg7[%add3A, %dma_wait3A_277] : memref<32x16xf32, #tpu.memory_space<hbm>> -> memref<1x16xf32, #tpu.memory_space<hbm>>
      %dma_wait3A_279 = tpu.memref_squeeze %dma_wait3A_278 : memref<1x16xf32, #tpu.memory_space<hbm>> -> memref<16xf32, #tpu.memory_space<hbm>>
      tpu.wait_dma2 semaphore(%run_scoped3A_267 : memref<!tpu.dma_semaphore, #tpu.memory_space<semaphore_mem>>) src(%arg14 : memref<16xf32, #tpu.memory_space<vmem>>) dst(%dma_wait3A_279 : memref<16xf32, #tpu.memory_space<hbm>>)
      tpu.yield
    }) : () -> ()
    return
  }
}

</mosaic_0001>

<sc_bundles>
// kernel: _bpr.3.cloned.1.call-start
scs
__scs_entry_jumppad:
0x0: {  	(pc) =	sbr.rel $0x88, $3  }
0x1: {  	(tag) =	ssettag $0x0;
	lr =	simm.s32 $0x1  }
0x2: {  	[smem:$0x3F9C] =	sst lr;
	_ =	strace $0xD0000000  }
0x3: {  	_ = 	snop  }
0x4: {  	_ = 	snop  }
0x5: {  	_ = 	snop  }
0x6: {  	_ = 	snop  }
0x7: {  	_ = 	snop  }
__scs_overlays_trampoline_lowered:
0x8: {  	[smem:$0x3FAB] =	sst s0  }
0x9: {  	[smem:$0x3FAC] =	sst s1  }
0xa: {  	[smem:$0x3FAD] =	sst s2  }
0xb: {  	[smem:$0x3FAE] =	sst s3  }
0xc: {  	[smem:$0x3FAF] =	sst s4  }
0xd: {  	[smem:$0x3FB0] =	sst s5  }
0xe: {  	[smem:$0x3FB1] =	sst s6  }
0xf: {  	[smem:$0x3FB2] =	sst s7  }
0x10: {  	[smem:$0x3FB3] =	sst s8  }
0x11: {  	[smem:$0x3FB4] =	sst s9;
	s0 =	simm.s32 @!p0 $0x0  }
0x12: {  	s1 =	sld [smem:$0x3F9A];
	s0 =	simm.s32 @p0 $0x1  }
0x13: {  	[smem:$0x3FB5] =	sst s0;
	s0 =	simm.s32 @!p1 $0x0  }
0x14: {  	s2 =	sld [smem:$0x3F99];
	s0 =	simm.s32 @p1 $0x1  }
0x15: {  	[smem:$0x3FB6] =	sst s0;
	s0 =	simm.s32 @!p2 $0x0  }
0x16: {  	s3 =	sld [smem:$0x3FDB];
	s0 =	simm.s32 @p2 $0x1  }
0x17: {  	s4 =	simm.s32 $0x1BF5;
	[smem:$0x3FB8] =	sst s0  }
0x18: {  	s0 =	sld [smem:$0x3F9B];
	_ =	swait.ge [sflag:s4], $0x0  }
0x19: {  	s7 =	sld [smem:$0x3F9C]  }
0x1a: {  	s8 =	sadd.s32 $0xFFFFE003, lr  }
0x1b: {  	s9 =	sadd.s32 $0xFFFFFEF7, lr;
	s5 =	simm.s32 $0xFFFFFFFF;
	p2 =	slt.u32 s8, $0xFFFFF086  }
0x1c: {  	p1 =	slt.u32 s9, $0xF7A;
	s5 =	simm.s32 @!p2 $0x0  }
0x1d: {  	s5 =	simm.s32 @p1 $0x1;
	p0 =	seq.s32 s7, s2  }
0x1e: {  	s7 =	smul.u32 @!p0 $0xF7A, s2;
	p2 =	seq.s32 @!p0 s5, $0x0  }
0x1f: {  	s9 =	smul.u32 $0xF7A, s1;
	s8 =	simm.s32 @!p0 $0x1BF5;
	p2 =	por !p2, p0  }
0x20: {  	[sflag:s8] =	ssyncset.s32 @!p0 $0xFFFFF086;
	s6 =	sadd.s32 @!p0 s3, s7;
	s7 =	simm.s32 @!p0 $0x108  }
0x21: {  	s3 =	sadd.s32 s3, s9;
	s6 =	sadd.s32 @!p0 $0x88, s6;
	s7 =	simm.s32 @p2 $0x1082  }
0x22: {  	[simem:s7], [sflag:s8] =	dma.local @!p0 [hbm:s6], $0xF7A  }
0x23: {  	s9 =	sor.u32 $0xD0000000, s2;
	s6 =	simm.s32 $0x108;
	_ =	swait.ge @!p0 [sflag:s8], $0x0  }
0x24: {  	s3 =	sadd.s32 $0x88, s3;
	s6 =	simm.s32 @!p1 $0x1082;
	[sflag:s4] =	ssyncset.s32 $0xFFFFF086  }
0x25: {  	[simem:s6], [sflag:s4] =	dma.local [hbm:s3], $0xF7A  }
0x26: {  	[smem:$0x3F9C] =	sst s1;
	(tag) =	ssettag s2;
	_ =	strace s9  }
0x27: {  	s1 =	sld [smem:$0x3FAC]  }
0x28: {  	s2 =	sld [smem:$0x3FAD]  }
0x29: {  	s4 =	sld [smem:$0x3FAF]  }
0x2a: {  	p0 =	seq.s32 s5, $0x0;
	s5 =	sld [smem:$0x3FB0]  }
0x2b: {  	s6 =	sld [smem:$0x3FB1]  }
0x2c: {  	s7 =	sld [smem:$0x3FB2]  }
0x2d: {  	s3 =	simm.s32 $0x108;
	s8 =	sld [smem:$0x3FB3]  }
0x2e: {  	s3 =	simm.s32 @!p0 $0x1082;
	s9 =	sld [smem:$0x3FB4]  }
0x2f: {  	lr =	sadd.s32 s0, s3;
	s0 =	sld [smem:$0x3FAB]  }
0x30: {  	s3 =	sld [smem:$0x3FAE]  }
0x31: {  	[smem:$0x3FB7] =	sst s10  }
0x32: {  	s10 =	sld [smem:$0x3FB5];
	_ =	sdelay $0x3  }
0x33: {  	p0 =	seq.s32 s10, $0x1;
	s10 =	sld [smem:$0x3FB7];
	_ =	sdelay $0x3  }
0x34: {  	[smem:$0x3FB7] =	sst s10  }
0x35: {  	s10 =	sld [smem:$0x3FB6];
	_ =	sdelay $0x3  }
0x36: {  	p1 =	seq.s32 s10, $0x1;
	s10 =	sld [smem:$0x3FB7];
	_ =	sdelay $0x3  }
0x37: {  	[smem:$0x3FB7] =	sst s10  }
0x38: {  	s10 =	sld [smem:$0x3FB8]  }
0x39: {  	_ = 	snop;
	(pc) =	sbr.ind lr, $3  }
0x3a: {  	_ = 	snop  }
0x3b: {  	_ = 	snop  }
0x3c: {  	p2 =	seq.s32 s10, $0x1;
	s10 =	sld [smem:$0x3FB7]  }
0x3d: {  	_ =	shalt  }
0x3e: {  	_ =	shalt  }
0x3f: {  	_ =	shalt  }
0x40: {  	_ =	shalt  }
0x41: {  	_ =	shalt  }
0x42: {  	_ =	shalt  }
0x43: {  	_ =	shalt  }
0x44: {  	_ =	shalt  }
0x45: {  	_ =	shalt  }
0x46: {  	_ =	shalt  }
0x47: {  	_ =	shalt  }
0x48: {  	_ =	shalt  }
0x49: {  	_ =	shalt  }
0x4a: {  	_ =	shalt  }
0x4b: {  	_ =	shalt  }
0x4c: {  	_ =	shalt  }
0x4d: {  	_ =	shalt  }
0x4e: {  	_ =	shalt  }
0x4f: {  	_ =	shalt  }
0x50: {  	_ =	shalt  }
0x51: {  	_ =	shalt  }
0x52: {  	_ =	shalt  }
0x53: {  	_ =	shalt  }
0x54: {  	_ =	shalt  }
0x55: {  	_ =	shalt  }
0x56: {  	_ =	shalt  }
0x57: {  	_ =	shalt  }
0x58: {  	_ =	shalt  }
0x59: {  	_ =	shalt  }
0x5a: {  	_ =	shalt  }
0x5b: {  	_ =	shalt  }
0x5c: {  	_ =	shalt  }
0x5d: {  	_ =	shalt  }
0x5e: {  	_ =	shalt  }
0x5f: {  	_ =	shalt  }
0x60: {  	_ =	shalt  }
0x61: {  	_ =	shalt  }
0x62: {  	_ =	shalt  }
0x63: {  	_ =	shalt  }
0x64: {  	_ =	shalt  }
0x65: {  	_ =	shalt  }
0x66: {  	_ =	shalt  }
0x67: {  	_ =	shalt  }
0x68: {  	_ =	shalt  }
0x69: {  	_ =	shalt  }
0x6a: {  	_ =	shalt  }
0x6b: {  	_ =	shalt  }
0x6c: {  	_ =	shalt  }
0x6d: {  	_ =	shalt  }
0x6e: {  	_ =	shalt  }
0x6f: {  	_ =	shalt  }
0x70: {  	_ =	shalt  }
0x71: {  	_ =	shalt  }
0x72: {  	_ =	shalt  }
0x73: {  	_ =	shalt  }
0x74: {  	_ =	shalt  }
0x75: {  	_ =	shalt  }
0x76: {  	_ =	shalt  }
0x77: {  	_ =	shalt  }
0x78: {  	_ =	shalt  }
0x79: {  	_ =	shalt  }
0x7a: {  	_ =	shalt  }
0x7b: {  	_ =	shalt  }
0x7c: {  	_ =	shalt  }
0x7d: {  	_ =	shalt  }
0x7e: {  	_ =	shalt  }
0x7f: {  	_ =	shalt  }
0x80: {  	_ =	shalt  }
0x81: {  	_ =	shalt  }
0x82: {  	_ =	shalt  }
0x83: {  	_ =	shalt  }
0x84: {  	_ =	shalt  }
0x85: {  	_ =	shalt  }
0x86: {  	_ =	shalt  }
0x87: {  	_ =	shalt  }
.Lfunc_end0:
.L_simem_size_0:
called_computation_lowered:
.L_overlay_start_0:
0x88: {  	s2 =	sld [smem:$0x3FD9]  }
0x89: {  	s3 =	sld [smem:$0x3FFE];
	_ =	sdelay $0x1  }
0x8a: {  	s1 =	srdreg.scid  }
0x8b: {  	s0 =	sand.u32 $0x1, s1  }
0x8c: {  	s17 =	sshll.u32 s0, $0xA;
	s2 =	sadd.s32 s3, s2  }
0x8d: {  	s2 =	sadd.s32 s2, s17  }
0x8e: {  	[smem:$0x3FC3] =	sst s2  }
0x8f: {  	_ = 	snop  }
0x90: {  	s2 =	sld [smem:$0x3FC9]  }
0x91: {  	s18 =	sld [smem:$0x3FC8]  }
0x92: {  	s4 =	sld [smem:$0x3FC7];
	(tm) =	ssettm $0x1  }
0x93: {  	s5 =	sld [smem:$0x3FFB];
	_ =	sdelay $0x3  }
0x94: {  	_ =	strace s5  }
0x95: {  	s5 =	sld [smem:$0x3FFC];
	_ =	sdelay $0x3  }
0x96: {  	_ =	strace s5  }
0x97: {  	s5 =	sld [smem:$0x3FFD];
	_ =	sdelay $0x3  }
0x98: {  	_ =	strace s5  }
0x99: {  	_ =	strace $0x8FFFFFFF  }
0x9a: {  	s19 =	sld [smem:$0x3FDB];
	_ =	sdelay $0x1  }
0x9b: {  	s6 =	simm.s32 $_scs_section_size  }
0x9c: {  	s7 =	simm.s32 $_size__tile_overlayer_lowered;
	s8 =	simm.s32 $_tile_overlayer_lowered  }
0x9d: {  	s22 =	simm.s32 $0x1BFF;
	s21 =	sshll.u32 s8, $0x1;
	s5 =	sadd.s32 s6, s19  }
0x9e: {  	s9 =	simm.s32 $0x0;
	s20 =	sshll.u32 s7, $0x1;
	s7 =	sadd.s32 s21, s5  }
0x9f: {  	[timem:s9], [sflag:s22] =	dma.local [hbm:s7], s20  }
0xa0: {  	_ =	swait.ge [sflag:s22], s20  }
0xa1: {  	s6 =	ssub.s32 $0x0, s20;
	[sflag:s22] =	ssyncset.done $0x0  }
0xa2: {  	[sflag:s22] =	ssyncadd.s32 s6;
	_ =	sdelay $0x1  }
0xa3: {  	s23 =	simm.s32 $0x1B8B  }
0xa4: {  	_ =	swait.ge [sflag:s23], $0x1  }
0xa5: {  	[sflag:s23] =	ssyncset.done $0x0  }
0xa6: {  	s25 =	simm.s32 $0x1B8E;
	s24 =	sld [smem:$0x3FFE];
	[sflag:s23] =	ssyncadd.s32 $0xFFFFFFFF  }
0xa7: {  	s26 =	simm.s32 $execute0_lowered;
	[smem:$0x3FD2] =	sst s25  }
0xa8: {  	s7 =	sshll.u32 s26, $0x1;
	_ =	strace $0x80000046;
	[dreg:$0x1] =	wrdreg $0xFFFFFFFF  }
0xa9: {  	s28 =	simm.s32 $_size_execute0_lowered;
	s5 =	sadd.s32 s5, s7;
	[dreg:$0x0] =	wrdreg $0x0  }
0xaa: {  	s7 =	sshll.u32 s28, $0x1;
	[dreg:$0x2] =	wrdreg s5  }
0xab: {  	[dreg:$0x3] =	wrdreg s7  }
0xac: {  	[dreg:$0x4] =	wrdreg $0xC0  }
0xad: {  	_ =	task [dreg:s9], $0x5FFFF  }
0xae: {  	[dreg:$0x1] =	wrdreg $0xFFFFFFFF  }
0xaf: {  	[dreg:$0x0] =	wrdreg $0x60  }
0xb0: {  	[dreg:$0x2] =	wrdreg s2  }
0xb1: {  	[dreg:$0x3] =	wrdreg s18  }
0xb2: {  	[dreg:$0x4] =	wrdreg s4  }
0xb3: {  	[dreg:$0x5] =	wrdreg s24  }
0xb4: {  	[dreg:$0x6] =	wrdreg $0x9  }
0xb5: {  	_ =	task.clear_ibuf [dreg:s9], $0x7FFFF;
	_ =	strace $0x90000046  }
0xb6: {  	s29 =	simm.s32 $0x9;
	_ =	strace $0x80000048  }
0xb7: {  	_ =	swait.ge [sflag:s29], $0x1  }
0xb8: {  	[sflag:s29] =	ssyncadd.s32 $0xFFFFFFFF  }
0xb9: {  	_ =	strace $0x90000048  }
0xba: {  	_ =	sfence  }
0xbb: {  	s30 =	sld [smem:$0x0];
	_ =	sdelay $0x2  }
0xbc: {  	s31 =	sshll.u32 s1, $0xD;
	s1 =	sshrl.u32 s1, $0x2  }
0xbd: {  	s3 =	sand.u32 $0x4000, s31;
	s1 =	sadd.s32 s1, s30  }
0xbe: {  	s0 =	sor.u32 s3, s0;
	s1 =	sshll.u32 s1, $0x11  }
0xbf: {  	s0 =	sor.u32 s1, s0  }
0xc0: {  	s0 =	sadd.s32 $0x8F2B, s0  }
0xc1: {  	[sflag:s0] =	ssyncadd.remote.s32 $0x1  }
0xc2: {  	_ =	sfence.sel $0xFFFF  }
0xc3: {  	[dreg:$0x0] =	wrdreg $0xFFFFFFFF;
	(pc) =	sbr.abs _section_cstart, $3  }
0xc4: {  	[dreg:$0x1] =	wrdreg $0xFFFFFFFF  }
0xc5: {  	_ =	task.clear_ibuf [dreg:s9], $0x2FFFF;
	_ =	strace $0x9FFFFFFF  }
0xc6: {  	(tm) =	ssettm $0x7FFFFFFF  }
0xc7: {  	_ =	shalt  }
tec
execute0_lowered:
.L_overlay_start_1:
0x0: {  	(tag) =	ssettag $0x1  }
0x1: {  	s0 =	rddreg [dreg:$0x0]  }
0x2: {  	s1 =	rddreg [dreg:$0x1]  }
0x3: {  	s5 =	rddreg [dreg:$0x2]  }
0x4: {  	s6 =	rddreg [dreg:$0x3];
	s2 =	simm.s32 $0x0;
	s3 =	srdreg.scid  }
0x5: {  	s8 =	stileid.u32;
	s19 =	simm.s32 $0x2;
	s20 =	simm.s32 $0x200  }
0x6: {  	s21 =	simm.s32 $0x400;
	s28 =	simm.s32 $0x500;
	s29 =	simm.s32 $0x180  }
0x7: {  	s30 =	simm.s32 $0x380;
	s31 =	simm.s32 $0x580;
	[smem:$0x7FF] =	sst s2  }
0x8: {  	s4 =	sand.u32 $0x1, s3;
	s8 =	sshll.u32 s8, $0x1;
	s3 =	sadd.s32 $0xF42400, s6  }
0x9: {  	_ =	strace $0x80000047;
	s7 =	ssub.s32 $0x2, s4;
	s8 =	sor.u32 s4, s8  }
0xa: {  	s4 =	sadd.s32 $0x112AA00, s6;
	s9 =	sshrl.u32 s7, $0x1;
	s14 =	sshll.u32 s8, $0x6  }
0xb: {  	s26 =	sshll.u32 s8, $0x1;
	s7 =	ssub.s32 s7, s9;
	s22 =	sadd.s32 s0, s14  }
0xc: {  	s23 =	sadd.s32 s1, s14;
	s10 =	sor.u32 $0x10, s14;
	s24 =	sadd.s32 s5, s14  }
0xd: {  	s13 =	sor.u32 $0x20, s14;
	s16 =	sor.u32 $0x30, s14;
	[dreg:$0x5] =	wrdreg s22  }
0xe: {  	s17 =	sadd.s32 s6, s26;
	s26 =	simm.s32 $0x300;
	[dreg:$0x6] =	wrdreg s23  }
0xf: {  	s6 =	simm.s32 $0x1;
	[dreg:$0x7] =	wrdreg s24;
	s25 =	sadd.s32 s0, s10  }
0x10: {  	s9 =	sadd.s32 s1, s10;
	s10 =	sadd.s32 s5, s10;
	s11 =	sadd.s32 s0, s13  }
0x11: {  	s12 =	sadd.s32 s1, s13;
	s13 =	sadd.s32 s5, s13;
	s14 =	sadd.s32 s0, s16  }
0x12: {  	s15 =	sadd.s32 s1, s16;
	s16 =	sadd.s32 s5, s16;
	s18 =	smax.u32 s7, $0x1  }
0x13: {  	s22 =	simm.s32 $0x80;
	s23 =	simm.s32 $0x280;
	s24 =	simm.s32 $0x480  }
0x14: {  	v0 =	vlaneseq.u32;
	s0 =	simm.s32 $0x600;
	s1 =	simm.s32 $0x2600;
	s5 =	simm.s32 $0x4600  }
0x15: {  	v0 =	vmul.u32 $0x10, v0;
	s7 =	simm.s32 $0x0;
	[dreg:$0x8] =	wrdreg s25;
	s25 =	simm.s32 $0x100  }
.LBB2_1:
0x16: {  	s8 =	rddreg [dreg:$0x5]  }
0x17: {  	[tilespmem:s2], [sflag:$0x2] =	stream.linear.gather [hbm4b:s8+s2], $0x80, $0x38;
	[tilespmem:$0x6610] =	vst v63  }
0x18: {  	_ =	swait.ge [sflag:s19], $0x80  }
0x19: {  	[sflag:s19] =	ssyncset.done $0x0  }
0x1a: {  	s8 =	rddreg [dreg:$0x6];
	[sflag:s19] =	ssyncadd.s32 $0xFFFFFF80  }
0x1b: {  	[tilespmem:s20], [sflag:$0x2] =	stream.linear.gather [hbm4b:s8+s2], $0x80, $0x38;
	[tilespmem:$0x6610] =	vst v63  }
0x1c: {  	_ =	swait.ge [sflag:s19], $0x80  }
0x1d: {  	[sflag:s19] =	ssyncset.done $0x0  }
0x1e: {  	s8 =	rddreg [dreg:$0x7];
	[sflag:s19] =	ssyncadd.s32 $0xFFFFFF80  }
0x1f: {  	[tilespmem:s21], [sflag:$0x2] =	stream.linear.gather [hbm4b:s8+s2], $0x80, $0x38;
	[tilespmem:$0x6610] =	vst v63  }
0x20: {  	_ =	swait.ge [sflag:s19], $0x80  }
0x21: {  	[sflag:s19] =	ssyncset.done $0x0  }
0x22: {  	s8 =	rddreg [dreg:$0x8];
	[sflag:s19] =	ssyncadd.s32 $0xFFFFFF80  }
0x23: {  	[tilespmem:s22], [sflag:$0x2] =	stream.linear.gather [hbm4b:s8+s2], $0x80, $0x38;
	[tilespmem:$0x6610] =	vst v63  }
0x24: {  	_ =	swait.ge [sflag:s19], $0x80  }
0x25: {  	[sflag:s19] =	ssyncset.done $0x0  }
0x26: {  	[sflag:s19] =	ssyncadd.s32 $0xFFFFFF80  }
0x27: {  	[tilespmem:s23], [sflag:$0x2] =	stream.linear.gather [hbm4b:s9+s2], $0x80, $0x38;
	[tilespmem:$0x6610] =	vst v63  }
0x28: {  	_ =	swait.ge [sflag:s19], $0x80  }
0x29: {  	[sflag:s19] =	ssyncset.done $0x0  }
0x2a: {  	[sflag:s19] =	ssyncadd.s32 $0xFFFFFF80  }
0x2b: {  	[tilespmem:s24], [sflag:$0x2] =	stream.linear.gather [hbm4b:s10+s2], $0x80, $0x38;
	[tilespmem:$0x6610] =	vst v63  }
0x2c: {  	_ =	swait.ge [sflag:s19], $0x80  }
0x2d: {  	[sflag:s19] =	ssyncset.done $0x0  }
0x2e: {  	[sflag:s19] =	ssyncadd.s32 $0xFFFFFF80  }
0x2f: {  	[tilespmem:s25], [sflag:$0x2] =	stream.linear.gather [hbm4b:s11+s2], $0x80, $0x38;
	[tilespmem:$0x6610] =	vst v63  }
0x30: {  	_ =	swait.ge [sflag:s19], $0x80  }
0x31: {  	[sflag:s19] =	ssyncset.done $0x0  }
0x32: {  	[sflag:s19] =	ssyncadd.s32 $0xFFFFFF80  }
0x33: {  	[tilespmem:s26], [sflag:$0x2] =	stream.linear.gather [hbm4b:s12+s2], $0x80, $0x38;
	[tilespmem:$0x6610] =	vst v63  }
0x34: {  	_ =	swait.ge [sflag:s19], $0x80  }
0x35: {  	[sflag:s19] =	ssyncset.done $0x0  }
0x36: {  	[sflag:s19] =	ssyncadd.s32 $0xFFFFFF80  }
0x37: {  	[tilespmem:s28], [sflag:$0x2] =	stream.linear.gather [hbm4b:s13+s2], $0x80, $0x38;
	[tilespmem:$0x6610] =	vst v63  }
0x38: {  	_ =	swait.ge [sflag:s19], $0x80  }
0x39: {  	[sflag:s19] =	ssyncset.done $0x0  }
0x3a: {  	[sflag:s19] =	ssyncadd.s32 $0xFFFFFF80  }
0x3b: {  	[tilespmem:s29], [sflag:$0x2] =	stream.linear.gather [hbm4b:s14+s2], $0x80, $0x38;
	[tilespmem:$0x6610] =	vst v63  }
0x3c: {  	_ =	swait.ge [sflag:s19], $0x80  }
0x3d: {  	[sflag:s19] =	ssyncset.done $0x0  }
0x3e: {  	[sflag:s19] =	ssyncadd.s32 $0xFFFFFF80  }
0x3f: {  	[tilespmem:s30], [sflag:$0x2] =	stream.linear.gather [hbm4b:s15+s2], $0x80, $0x38;
	[tilespmem:$0x6610] =	vst v63  }
0x40: {  	_ =	swait.ge [sflag:s19], $0x80  }
0x41: {  	[sflag:s19] =	ssyncset.done $0x0  }
0x42: {  	[sflag:s19] =	ssyncadd.s32 $0xFFFFFF80  }
0x43: {  	[tilespmem:s31], [sflag:$0x2] =	stream.linear.gather [hbm4b:s16+s2], $0x80, $0x38;
	[tilespmem:$0x6610] =	vst v63  }
0x44: {  	_ =	swait.ge [sflag:s19], $0x80  }
0x45: {  	[sflag:s19] =	ssyncset.done $0x0  }
0x46: {  	[sflag:s19] =	ssyncadd.s32 $0xFFFFFF80  }
0x47: {  	[tilespmem:s0], [sflag:$0x1] =	stream.indirect.gather [hbm4b:s3+s22], $0x10, s2, s22, $0xb8;
	[tilespmem:$0x6610] =	vst v63  }
0x48: {  	_ = 	snop  }
0x49: {  	[tilespmem:s1], [sflag:$0x1] =	stream.indirect.gather [hbm4b:s4+s22], $0x10, s20, s22, $0xb8;
	[tilespmem:$0x6610] =	vst v63  }
0x4a: {  	_ = 	snop  }
0x4b: {  	[tilespmem:s5], [sflag:$0x1] =	stream.indirect.gather [hbm4b:s4+s22], $0x10, s21, s22, $0xb8;
	[tilespmem:$0x6610] =	vst v63  }
0x4c: {  	s8 =	simm.s32 $0xE00  }
0x4d: {  	[tilespmem:s8], [sflag:$0x1] =	stream.indirect.gather [hbm4b:s3+s22], $0x10, s22, s22, $0xb8;
	[tilespmem:$0x6610] =	vst v63  }
0x4e: {  	s8 =	simm.s32 $0x2E00  }
0x4f: {  	[tilespmem:s8], [sflag:$0x1] =	stream.indirect.gather [hbm4b:s4+s22], $0x10, s23, s22, $0xb8;
	[tilespmem:$0x6610] =	vst v63  }
0x50: {  	s8 =	simm.s32 $0x4E00  }
0x51: {  	[tilespmem:s8], [sflag:$0x1] =	stream.indirect.gather [hbm4b:s4+s22], $0x10, s24, s22, $0xb8;
	[tilespmem:$0x6610] =	vst v63  }
0x52: {  	s8 =	simm.s32 $0x1600  }
0x53: {  	[tilespmem:s8], [sflag:$0x1] =	stream.indirect.gather [hbm4b:s3+s22], $0x10, s25, s22, $0xb8;
	[tilespmem:$0x6610] =	vst v63  }
0x54: {  	s8 =	simm.s32 $0x3600  }
0x55: {  	[tilespmem:s8], [sflag:$0x1] =	stream.indirect.gather [hbm4b:s4+s22], $0x10, s26, s22, $0xb8;
	[tilespmem:$0x6610] =	vst v63  }
0x56: {  	s8 =	simm.s32 $0x5600  }
0x57: {  	[tilespmem:s8], [sflag:$0x1] =	stream.indirect.gather [hbm4b:s4+s22], $0x10, s28, s22, $0xb8;
	[tilespmem:$0x6610] =	vst v63  }
0x58: {  	s8 =	simm.s32 $0x1E00  }
0x59: {  	[tilespmem:s8], [sflag:$0x1] =	stream.indirect.gather [hbm4b:s3+s22], $0x10, s29, s22, $0xb8;
	[tilespmem:$0x6610] =	vst v63  }
0x5a: {  	s8 =	simm.s32 $0x3E00  }
0x5b: {  	[tilespmem:s8], [sflag:$0x1] =	stream.indirect.gather [hbm4b:s4+s22], $0x10, s30, s22, $0xb8;
	[tilespmem:$0x6610] =	vst v63  }
0x5c: {  	s8 =	simm.s32 $0x5E00  }
0x5d: {  	[tilespmem:s8], [sflag:$0x1] =	stream.indirect.gather [hbm4b:s4+s22], $0x10, s31, s22, $0xb8;
	[tilespmem:$0x6610] =	vst v63  }
0x5e: {  	_ =	swait.ge [sflag:s6], $0x800  }
0x5f: {  	[sflag:s6] =	ssyncset.done $0x0  }
0x60: {  	[sflag:s6] =	ssyncadd.s32 $0xFFFFF800  }
0x61: {  	_ =	swait.ge [sflag:s6], $0x800  }
0x62: {  	[sflag:s6] =	ssyncset.done $0x0  }
0x63: {  	[sflag:s6] =	ssyncadd.s32 $0xFFFFF800  }
0x64: {  	_ =	swait.ge [sflag:s6], $0x800  }
0x65: {  	[sflag:s6] =	ssyncset.done $0x0  }
0x66: {  	[sflag:s6] =	ssyncadd.s32 $0xFFFFF800  }
0x67: {  	_ =	swait.ge [sflag:s6], $0x800  }
0x68: {  	[sflag:s6] =	ssyncset.done $0x0  }
0x69: {  	[sflag:s6] =	ssyncadd.s32 $0xFFFFF800  }
0x6a: {  	_ =	swait.ge [sflag:s6], $0x800  }
0x6b: {  	[sflag:s6] =	ssyncset.done $0x0  }
0x6c: {  	[sflag:s6] =	ssyncadd.s32 $0xFFFFF800  }
0x6d: {  	_ =	swait.ge [sflag:s6], $0x800  }
0x6e: {  	[sflag:s6] =	ssyncset.done $0x0  }
0x6f: {  	[sflag:s6] =	ssyncadd.s32 $0xFFFFF800  }
0x70: {  	_ =	swait.ge [sflag:s6], $0x800  }
0x71: {  	[sflag:s6] =	ssyncset.done $0x0  }
0x72: {  	[sflag:s6] =	ssyncadd.s32 $0xFFFFF800  }
0x73: {  	_ =	swait.ge [sflag:s6], $0x800  }
0x74: {  	[sflag:s6] =	ssyncset.done $0x0  }
0x75: {  	[sflag:s6] =	ssyncadd.s32 $0xFFFFF800  }
0x76: {  	_ =	swait.ge [sflag:s6], $0x800  }
0x77: {  	[sflag:s6] =	ssyncset.done $0x0  }
0x78: {  	[sflag:s6] =	ssyncadd.s32 $0xFFFFF800  }
0x79: {  	_ =	swait.ge [sflag:s6], $0x800  }
0x7a: {  	[sflag:s6] =	ssyncset.done $0x0  }
0x7b: {  	v1 =	vmov s2;
	[sflag:s6] =	ssyncadd.s32 $0xFFFFF800  }
0x7c: {  	v1 =	vshll.u32 v1, $0x4;
	_ =	swait.ge [sflag:s6], $0x800  }
0x7d: {  	v1 =	vor.u32 v0, v1;
	[sflag:s6] =	ssyncset.done $0x0  }
0x7e: {  	[sflag:s6] =	ssyncadd.s32 $0xFFFFF800  }
0x7f: {  	_ =	swait.ge [sflag:s6], $0x800  }
0x80: {  	v2 =	vor.u32 $0xE, v1;
	[sflag:s6] =	ssyncset.done $0x0  }
0x81: {  	v4 =	vor.u32 $0xD, v1;
	[sflag:s6] =	ssyncadd.s32 $0xFFFFF800  }
0x82: {  	v5 =	vor.u32 $0xC, v1;
	v3 =	vld.idx.msk [tilespmem:v1+s0+$0x0], $0xffff  }
0x83: {  	v7 =	vor.u32 $0xB, v1;
	v6 =	vld.idx.msk [tilespmem:v1+s1+$0x0], $0xffff  }
0x84: {  	v8 =	vor.u32 $0xA, v1;
	v9 =	vld.idx.msk [tilespmem:v1+s5+$0x0], $0xffff  }
0x85: {  	v10 =	vor.u32 $0x9, v1;
	v11 =	vld.idx.msk [tilespmem:v2+s0+$0x0], $0xffff  }
0x86: {  	v12 =	vor.u32 $0x8, v1;
	v13 =	vld.idx.msk [tilespmem:v4+s0+$0x0], $0xffff  }
0x87: {  	v14 =	vor.u32 $0x7, v1;
	v15 =	vld.idx.msk [tilespmem:v5+s0+$0x0], $0xffff  }
0x88: {  	v16 =	vld.idx.msk [tilespmem:v7+s0+$0x0], $0xffff  }
0x89: {  	v17 =	vor.u32 $0x5, v1;
	v18 =	vld.idx.msk [tilespmem:v8+s0+$0x0], $0xffff  }
0x8a: {  	v19 =	vor.u32 $0x4, v1;
	v20 =	vld.idx.msk [tilespmem:v10+s0+$0x0], $0xffff  }
0x8b: {  	v21 =	vor.u32 $0x3, v1;
	v22 =	vld.idx.msk [tilespmem:v12+s0+$0x0], $0xffff  }
0x8c: {  	v23 =	vor.u32 $0x2, v1;
	v24 =	vld.idx.msk [tilespmem:v14+s0+$0x0], $0xffff  }
0x8d: {  	v25 =	vld.idx.msk [tilespmem:v14+s1+$0x0], $0xffff  }
0x8e: {  	v26 =	vor.u32 $0x1, v1;
	v27 =	vld.idx.msk [tilespmem:v17+s0+$0x0], $0xffff  }
0x8f: {  	v28 =	vld.idx.msk [tilespmem:v19+s0+$0x0], $0xffff  }
0x90: {  	v29 =	vld.idx.msk [tilespmem:v21+s0+$0x0], $0xffff  }
0x91: {  	v30 =	vld.idx.msk [tilespmem:v23+s0+$0x0], $0xffff  }
0x92: {  	v31 =	vld.idx.msk [tilespmem:v23+s1+$0x0], $0xffff  }
0x93: {  	v32 =	vld.idx.msk [tilespmem:v26+s1+$0x0], $0xffff  }
0x94: {  	v33 =	vld.idx.msk [tilespmem:v26+s5+$0x0], $0xffff  }
0x95: {  	v23 =	vld.idx.msk [tilespmem:v23+s5+$0x0], $0xffff  }
0x96: {  	v26 =	vld.idx.msk [tilespmem:v26+s0+$0x0], $0xffff  }
0x97: {  	v34 =	vld.idx.msk [tilespmem:v21+s1+$0x0], $0xffff  }
0x98: {  	v35 =	vld.idx.msk [tilespmem:v19+s1+$0x0], $0xffff;
	v6 =	vsub.f32 v9, v6  }
0x99: {  	v9 =	vld.idx.msk [tilespmem:v21+s5+$0x0], $0xffff;
	v21 =	vor.u32 $0x6, v1  }
0x9a: {  	v19 =	vld.idx.msk [tilespmem:v19+s5+$0x0], $0xffff;
	v3 =	vmul.f32 v6, v3;
	v6 =	vsub.f32 v33, v32  }
0x9b: {  	v63 =	vld.idx.msk [tilespmem:v17+s1+$0x0], $0xffff  }
0x9c: {  	v17 =	vld.idx.msk [tilespmem:v17+s5+$0x0], $0xffff;
	v23 =	vsub.f32 v23, v31;
	v3 =	vadd.f32 $0.0e+00, v3;
	v6 =	vmul.f32 v6, v26  }
0x9d: {  	v14 =	vld.idx.msk [tilespmem:v14+s5+$0x0], $0xffff  }
0x9e: {  	v26 =	vld.idx.msk [tilespmem:v21+s1+$0x0], $0xffff;
	v9 =	vsub.f32 v9, v34;
	v3 =	vadd.f32 v6, v3;
	v6 =	vmul.f32 v23, v30  }
0x9f: {  	v23 =	vld.idx.msk [tilespmem:v21+s5+$0x0], $0xffff  }
0xa0: {  	v3 =	vadd.f32 v6, v3;
	v6 =	vmul.f32 v9, v29;
	v9 =	vsub.f32 v19, v35;
	v19 =	vld.idx.msk [tilespmem:v21+s0+$0x0], $0xffff  }
0xa1: {  	v21 =	vld.idx.msk [tilespmem:v12+s1+$0x0], $0xffff  }
0xa2: {  	v12 =	vld.idx.msk [tilespmem:v12+s5+$0x0], $0xffff;
	v3 =	vadd.f32 v6, v3;
	v6 =	vmul.f32 v9, v28;
	v9 =	vsub.f32 v17, v63  }
0xa3: {  	v17 =	vld.idx.msk [tilespmem:v10+s1+$0x0], $0xffff  }
0xa4: {  	v10 =	vld.idx.msk [tilespmem:v10+s5+$0x0], $0xffff;
	v3 =	vadd.f32 v6, v3;
	v6 =	vmul.f32 v9, v27;
	v9 =	vsub.f32 v23, v26  }
0xa5: {  	v23 =	vld.idx.msk [tilespmem:v8+s1+$0x0], $0xffff  }
0xa6: {  	v14 =	vsub.f32 v14, v25;
	v8 =	vld.idx.msk [tilespmem:v8+s5+$0x0], $0xffff;
	v3 =	vadd.f32 v6, v3;
	v6 =	vmul.f32 v9, v19  }
0xa7: {  	s8 =	simm.s32 $0x10;
	v12 =	vsub.f32 v12, v21;
	v19 =	vld.idx.msk [tilespmem:v7+s1+$0x0], $0xffff  }
0xa8: {  	v9 =	vmov s8;
	v7 =	vld.idx.msk [tilespmem:v7+s5+$0x0], $0xffff;
	v3 =	vadd.f32 v6, v3;
	v6 =	vmul.f32 v14, v24  }
0xa9: {  	v1 =	vor.u32 $0xF, v1;
	v9 =	vshll.u32 v9, $0x4;
	v14 =	vld.idx.msk [tilespmem:v5+s1+$0x0], $0xffff  }
0xaa: {  	v12 =	vmul.f32 v12, v22;
	v10 =	vsub.f32 v10, v17;
	v5 =	vld.idx.msk [tilespmem:v5+s5+$0x0], $0xffff;
	v6 =	vadd.f32 v6, v3  }
0xab: {  	v3 =	vor.u32 v0, v9;
	v9 =	vld.idx.msk [tilespmem:v4+s1+$0x0], $0xffff  }
0xac: {  	v10 =	vmul.f32 v10, v20;
	v8 =	vsub.f32 v8, v23;
	v4 =	vld.idx.msk [tilespmem:v4+s5+$0x0], $0xffff;
	v6 =	vadd.f32 v12, v6  }
0xad: {  	v21 =	vld.idx.msk [tilespmem:v2+s1+$0x0], $0xffff  }
0xae: {  	v8 =	vmul.f32 v8, v18;
	v7 =	vsub.f32 v7, v19;
	v18 =	vld.idx.msk [tilespmem:v2+s5+$0x0], $0xffff;
	v6 =	vadd.f32 v10, v6  }
0xaf: {  	v22 =	vld.idx.msk [tilespmem:v1+s1+$0x0], $0xffff;
	v2 =	vor.u32 $0xE, v3  }
0xb0: {  	v23 =	vld.idx.msk [tilespmem:v1+s5+$0x0], $0xffff;
	v7 =	vmul.f32 v7, v16;
	v5 =	vsub.f32 v5, v14;
	v10 =	vadd.f32 v8, v6  }
0xb1: {  	v1 =	vld.idx.msk [tilespmem:v1+s0+$0x0], $0xffff;
	v4 =	vsub.f32 v4, v9;
	v6 =	vor.u32 $0xD, v3  }
0xb2: {  	v14 =	vor.u32 $0x9, v3;
	v17 =	vld.idx.msk [tilespmem:v3+s0+$0x0], $0xffff;
	v5 =	vmul.f32 v5, v15;
	v7 =	vadd.f32 v7, v10  }
0xb3: {  	v19 =	vld.idx.msk [tilespmem:v3+s1+$0x0], $0xffff;
	v8 =	vor.u32 $0xC, v3;
	v9 =	vmul.f32 v4, v13;
	v13 =	vsub.f32 v18, v21  }
0xb4: {  	v20 =	vld.idx.msk [tilespmem:v3+s5+$0x0], $0xffff;
	v10 =	vor.u32 $0xB, v3;
	v7 =	vadd.f32 v5, v7  }
0xb5: {  	v12 =	vor.u32 $0xA, v3;
	v11 =	vmul.f32 v13, v11;
	v13 =	vsub.f32 v23, v22;
	v5 =	vld.idx.msk [tilespmem:v2+s0+$0x0], $0xffff  }
0xb6: {  	v16 =	vor.u32 $0x8, v3;
	v4 =	vld.idx.msk [tilespmem:v6+s0+$0x0], $0xffff;
	v15 =	vadd.f32 v9, v7  }
0xb7: {  	v18 =	vor.u32 $0x7, v3;
	v22 =	vmul.f32 v13, v1;
	v13 =	vld.idx.msk [tilespmem:v14+s0+$0x0], $0xffff  }
0xb8: {  	v7 =	vld.idx.msk [tilespmem:v8+s0+$0x0], $0xffff;
	v15 =	vadd.f32 v11, v15  }
0xb9: {  	v21 =	vor.u32 $0x5, v3;
	v9 =	vld.idx.msk [tilespmem:v10+s0+$0x0], $0xffff  }
0xba: {  	v23 =	vor.u32 $0x4, v3;
	v11 =	vld.idx.msk [tilespmem:v12+s0+$0x0], $0xffff;
	v22 =	vadd.f32 v22, v15  }
0xbb: {  	s8 =	simm.s32 $0x20;
	v24 =	vor.u32 $0x3, v3;
	v1 =	vimm.f32 $0.0e+00;
	v15 =	vld.idx.msk [tilespmem:v16+s0+$0x0], $0xffff  }
.LBB2_2:
0xbc: {  	p0 =	sne.s32 s8, $0x1F0;
	v25 =	vor.u32 $0x2, v3;
	v26 =	vld.idx.msk [tilespmem:v18+s0+$0x0], $0xffff;
	v22 =	vsub.f32 $0.0e+00, v22  }
0xbd: {  	v27 =	vld.idx.msk [tilespmem:v18+s1+$0x0], $0xffff  }
0xbe: {  	v28 =	vor.u32 $0x1, v3;
	v29 =	vld.idx.msk [tilespmem:v21+s0+$0x0], $0xffff;
	v22 =	vmul.f32 $1.442695020e+00, v22  }
0xbf: {  	v30 =	vld.idx.msk [tilespmem:v23+s0+$0x0], $0xffff  }
0xc0: {  	v31 =	vld.idx.msk [tilespmem:v24+s0+$0x0], $0xffff;
	(erf) = vpow2.f32 v22  }
0xc1: {  	v22 =	vld.idx.msk [tilespmem:v25+s0+$0x0], $0xffff  }
0xc2: {  	v32 =	vld.idx.msk [tilespmem:v25+s1+$0x0], $0xffff  }
0xc3: {  	v33 =	vld.idx.msk [tilespmem:v28+s1+$0x0], $0xffff  }
0xc4: {  	v34 =	vld.idx.msk [tilespmem:v28+s5+$0x0], $0xffff  }
0xc5: {  	v25 =	vld.idx.msk [tilespmem:v25+s5+$0x0], $0xffff  }
0xc6: {  	v28 =	vld.idx.msk [tilespmem:v28+s0+$0x0], $0xffff  }
0xc7: {  	v35 =	vld.idx.msk [tilespmem:v24+s1+$0x0], $0xffff  }
0xc8: {  	v19 =	vsub.f32 v20, v19;
	v20 =	vld.idx.msk [tilespmem:v24+s5+$0x0], $0xffff;
	v24 =	vor.u32 $0x6, v3  }
0xc9: {  	v36 =	vld.idx.msk [tilespmem:v23+s1+$0x0], $0xffff;
	v37 =	vpop (erf)  }
0xca: {  	v17 =	vmul.f32 v19, v17;
	v19 =	vsub.f32 v34, v33;
	v23 =	vld.idx.msk [tilespmem:v23+s5+$0x0], $0xffff;
	v33 =	vadd.f32 $1.000000000e+00, v37  }
0xcb: {  	v25 =	vsub.f32 v25, v32;
	v32 =	vld.idx.msk [tilespmem:v21+s1+$0x0], $0xffff  }
0xcc: {  	v17 =	vadd.f32 $0.0e+00, v17;
	v19 =	vmul.f32 v19, v28;
	v21 =	vld.idx.msk [tilespmem:v21+s5+$0x0], $0xffff;
	(erf) = vrcp.f32 v33  }
0xcd: {  	v28 =	vld.idx.msk [tilespmem:v24+s1+$0x0], $0xffff  }
0xce: {  	v17 =	vadd.f32 v19, v17;
	v19 =	vmul.f32 v25, v22;
	v20 =	vsub.f32 v20, v35;
	v22 =	vld.idx.msk [tilespmem:v24+s5+$0x0], $0xffff  }
0xcf: {  	v18 =	vld.idx.msk [tilespmem:v18+s5+$0x0], $0xffff  }
0xd0: {  	v17 =	vadd.f32 v19, v17;
	v19 =	vmul.f32 v20, v31;
	v20 =	vsub.f32 v23, v36;
	v23 =	vld.idx.msk [tilespmem:v24+s0+$0x0], $0xffff  }
0xd1: {  	v24 =	vld.idx.msk [tilespmem:v16+s1+$0x0], $0xffff  }
0xd2: {  	v17 =	vadd.f32 v19, v17;
	v19 =	vmul.f32 v20, v30;
	v20 =	vsub.f32 v21, v32;
	v16 =	vld.idx.msk [tilespmem:v16+s5+$0x0], $0xffff  }
0xd3: {  	v21 =	vld.idx.msk [tilespmem:v14+s1+$0x0], $0xffff  }
0xd4: {  	v17 =	vadd.f32 v19, v17;
	v19 =	vmul.f32 v20, v29;
	v20 =	vsub.f32 v22, v28;
	v14 =	vld.idx.msk [tilespmem:v14+s5+$0x0], $0xffff  }
0xd5: {  	v18 =	vsub.f32 v18, v27;
	v22 =	vld.idx.msk [tilespmem:v12+s1+$0x0], $0xffff;
	v25 =	vpop (erf)  }
0xd6: {  	v17 =	vadd.f32 v19, v17;
	v19 =	vmul.f32 v20, v23;
	v12 =	vld.idx.msk [tilespmem:v12+s5+$0x0], $0xffff;
	v1 =	vadd.f32 v25, v1  }
0xd7: {  	v20 =	vmov s8;
	v23 =	vld.idx.msk [tilespmem:v10+s1+$0x0], $0xffff  }
0xd8: {  	v18 =	vmul.f32 v18, v26;
	v17 =	vadd.f32 v19, v17;
	v16 =	vsub.f32 v16, v24;
	v10 =	vld.idx.msk [tilespmem:v10+s5+$0x0], $0xffff  }
0xd9: {  	v19 =	vshll.u32 v20, $0x4;
	v24 =	vor.u32 $0xF, v3;
	v20 =	vld.idx.msk [tilespmem:v8+s1+$0x0], $0xffff  }
0xda: {  	v17 =	vadd.f32 v18, v17;
	v15 =	vmul.f32 v16, v15;
	v14 =	vsub.f32 v14, v21;
	v8 =	vld.idx.msk [tilespmem:v8+s5+$0x0], $0xffff  }
0xdb: {  	v3 =	vor.u32 v0, v19;
	v16 =	vld.idx.msk [tilespmem:v6+s1+$0x0], $0xffff  }
0xdc: {  	v15 =	vadd.f32 v15, v17;
	v13 =	vmul.f32 v14, v13;
	v12 =	vsub.f32 v12, v22;
	v14 =	vld.idx.msk [tilespmem:v6+s5+$0x0], $0xffff  }
0xdd: {  	v18 =	vld.idx.msk [tilespmem:v2+s1+$0x0], $0xffff  }
0xde: {  	v6 =	vadd.f32 v13, v15;
	v11 =	vmul.f32 v12, v11;
	v10 =	vsub.f32 v10, v23;
	v13 =	vld.idx.msk [tilespmem:v2+s5+$0x0], $0xffff  }
0xdf: {  	v2 =	vor.u32 $0xE, v3;
	v15 =	vld.idx.msk [tilespmem:v24+s1+$0x0], $0xffff  }
0xe0: {  	v11 =	vadd.f32 v11, v6;
	v9 =	vmul.f32 v10, v9;
	v10 =	vsub.f32 v8, v20;
	v21 =	vld.idx.msk [tilespmem:v24+s5+$0x0], $0xffff  }
0xe1: {  	v8 =	vor.u32 $0xC, v3;
	v6 =	vor.u32 $0xD, v3;
	v17 =	vld.idx.msk [tilespmem:v3+s0+$0x0], $0xffff  }
0xe2: {  	v9 =	vadd.f32 v9, v11;
	v7 =	vmul.f32 v10, v7;
	v11 =	vsub.f32 v14, v16;
	v22 =	vld.idx.msk [tilespmem:v24+s0+$0x0], $0xffff  }
0xe3: {  	v12 =	vor.u32 $0xA, v3;
	v10 =	vor.u32 $0xB, v3;
	v19 =	vld.idx.msk [tilespmem:v3+s1+$0x0], $0xffff  }
0xe4: {  	v7 =	vadd.f32 v7, v9;
	v9 =	vmul.f32 v11, v4;
	v11 =	vsub.f32 v13, v18;
	v20 =	vld.idx.msk [tilespmem:v3+s5+$0x0], $0xffff  }
0xe5: {  	v16 =	vor.u32 $0x8, v3;
	v14 =	vor.u32 $0x9, v3;
	v25 =	vld.idx.msk [tilespmem:v2+s0+$0x0], $0xffff  }
0xe6: {  	v13 =	vadd.f32 v9, v7;
	v5 =	vmul.f32 v11, v5;
	v11 =	vsub.f32 v21, v15;
	v4 =	vld.idx.msk [tilespmem:v6+s0+$0x0], $0xffff  }
.Ltmp0:
0xe7: {  	v18 =	vor.u32 $0x7, v3;
	v7 =	vld.idx.msk [tilespmem:v8+s0+$0x0], $0xffff;
	(pc) =	sbr.rel @p0 .LBB2_2-.Ltmp0, $4  }
0xe8: {  	v26 =	vadd.f32 v5, v13;
	v15 =	vmul.f32 v11, v22;
	v9 =	vld.idx.msk [tilespmem:v10+s0+$0x0], $0xffff  }
0xe9: {  	v21 =	vor.u32 $0x5, v3;
	v11 =	vld.idx.msk [tilespmem:v12+s0+$0x0], $0xffff  }
0xea: {  	v23 =	vor.u32 $0x4, v3;
	v22 =	vadd.f32 v15, v26;
	v13 =	vld.idx.msk [tilespmem:v14+s0+$0x0], $0xffff  }
0xeb: {  	s8 =	sadd.s32 $0x10, s8;
	v24 =	vor.u32 $0x3, v3;
	v5 =	vmov v25;
	v15 =	vld.idx.msk [tilespmem:v16+s0+$0x0], $0xffff  }
0xec: {  	_ =	sdelay $0x3  }
0xed: {  	v25 =	vor.u32 $0x2, v3;
	v26 =	vld.idx.msk [tilespmem:v18+s0+$0x0], $0xffff  }
0xee: {  	v27 =	vld.idx.msk [tilespmem:v18+s1+$0x0], $0xffff  }
0xef: {  	v28 =	vor.u32 $0x1, v3;
	v29 =	vld.idx.msk [tilespmem:v21+s0+$0x0], $0xffff  }
0xf0: {  	v30 =	vld.idx.msk [tilespmem:v23+s0+$0x0], $0xffff  }
0xf1: {  	v31 =	vld.idx.msk [tilespmem:v24+s0+$0x0], $0xffff  }
0xf2: {  	v32 =	vld.idx.msk [tilespmem:v25+s0+$0x0], $0xffff  }
0xf3: {  	v33 =	vld.idx.msk [tilespmem:v25+s1+$0x0], $0xffff  }
0xf4: {  	v34 =	vld.idx.msk [tilespmem:v28+s1+$0x0], $0xffff  }
0xf5: {  	v35 =	vld.idx.msk [tilespmem:v28+s5+$0x0], $0xffff  }
0xf6: {  	v25 =	vld.idx.msk [tilespmem:v25+s5+$0x0], $0xffff  }
0xf7: {  	v28 =	vld.idx.msk [tilespmem:v28+s0+$0x0], $0xffff  }
0xf8: {  	v36 =	vld.idx.msk [tilespmem:v24+s1+$0x0], $0xffff;
	v19 =	vsub.f32 v20, v19  }
0xf9: {  	v57 =	vld.idx.msk [tilespmem:v24+s5+$0x0], $0xffff;
	v58 =	vor.u32 $0x6, v3  }
0xfa: {  	v37 =	vld.idx.msk [tilespmem:v23+s1+$0x0], $0xffff;
	v17 =	vmul.f32 v19, v17;
	v59 =	vsub.f32 v35, v34  }
0xfb: {  	v60 =	vld.idx.msk [tilespmem:v23+s5+$0x0], $0xffff  }
0xfc: {  	v61 =	vld.idx.msk [tilespmem:v21+s1+$0x0], $0xffff;
	v17 =	vadd.f32 $0.0e+00, v17;
	v25 =	vsub.f32 v25, v33;
	v19 =	vmul.f32 v59, v28  }
0xfd: {  	v62 =	vld.idx.msk [tilespmem:v21+s5+$0x0], $0xffff  }
0xfe: {  	v63 =	vld.idx.msk [tilespmem:v58+s1+$0x0], $0xffff;
	v20 =	vsub.f32 v57, v36;
	v34 =	vmul.f32 v25, v32;
	v17 =	vadd.f32 v19, v17  }
0xff: {  	v35 =	vld.idx.msk [tilespmem:v58+s5+$0x0], $0xffff  }
0x100: {  	v36 =	vld.idx.msk [tilespmem:v18+s5+$0x0], $0xffff;
	v39 =	vsub.f32 v60, v37;
	v38 =	vmul.f32 v20, v31;
	v17 =	vadd.f32 v34, v17  }
0x101: {  	v40 =	vld.idx.msk [tilespmem:v58+s0+$0x0], $0xffff  }
0x102: {  	v41 =	vld.idx.msk [tilespmem:v16+s1+$0x0], $0xffff;
	v43 =	vsub.f32 v62, v61;
	v42 =	vmul.f32 v39, v30;
	v17 =	vadd.f32 v38, v17  }
0x103: {  	v44 =	vld.idx.msk [tilespmem:v16+s5+$0x0], $0xffff  }
0x104: {  	v45 =	vld.idx.msk [tilespmem:v14+s1+$0x0], $0xffff;
	v46 =	vmul.f32 v43, v29;
	v47 =	vsub.f32 v35, v63;
	v17 =	vadd.f32 v42, v17  }
0x105: {  	v48 =	vld.idx.msk [tilespmem:v14+s5+$0x0], $0xffff  }
0x106: {  	v49 =	vld.idx.msk [tilespmem:v12+s1+$0x0], $0xffff;
	v18 =	vsub.f32 v36, v27;
	v50 =	vmul.f32 v47, v40;
	v17 =	vadd.f32 v46, v17  }
0x107: {  	v51 =	vld.idx.msk [tilespmem:v12+s5+$0x0], $0xffff  }
0x108: {  	v52 =	vld.idx.msk [tilespmem:v10+s1+$0x0], $0xffff;
	v16 =	vsub.f32 v44, v41;
	v18 =	vmul.f32 v18, v26;
	v17 =	vadd.f32 v50, v17  }
0x109: {  	v53 =	vld.idx.msk [tilespmem:v10+s5+$0x0], $0xffff  }
0x10a: {  	v54 =	vld.idx.msk [tilespmem:v8+s1+$0x0], $0xffff;
	v14 =	vsub.f32 v48, v45;
	v15 =	vmul.f32 v16, v15;
	v17 =	vadd.f32 v18, v17  }
0x10b: {  	v3 =	vor.u32 $0xF, v3;
	v55 =	vld.idx.msk [tilespmem:v8+s5+$0x0], $0xffff  }
0x10c: {  	v56 =	vld.idx.msk [tilespmem:v6+s1+$0x0], $0xffff;
	v12 =	vsub.f32 v51, v49;
	v13 =	vmul.f32 v14, v13;
	v15 =	vadd.f32 v15, v17  }
0x10d: {  	v57 =	vld.idx.msk [tilespmem:v6+s5+$0x0], $0xffff  }
0x10e: {  	v10 =	vsub.f32 v53, v52;
	v11 =	vmul.f32 v12, v11;
	v58 =	vld.idx.msk [tilespmem:v2+s1+$0x0], $0xffff;
	v13 =	vadd.f32 v13, v15  }
0x10f: {  	v2 =	vld.idx.msk [tilespmem:v2+s5+$0x0], $0xffff;
	v59 =	vsub.f32 $0.0e+00, v22  }
0x110: {  	v60 =	vld.idx.msk [tilespmem:v3+s1+$0x0], $0xffff;
	v8 =	vsub.f32 v55, v54;
	v9 =	vmul.f32 v10, v9;
	v11 =	vadd.f32 v11, v13  }
0x111: {  	v62 =	vld.idx.msk [tilespmem:v3+s5+$0x0], $0xffff;
	v61 =	vmul.f32 $1.442695020e+00, v59  }
0x112: {  	v7 =	vmul.f32 v8, v7;
	v6 =	vsub.f32 v57, v56;
	v9 =	vadd.f32 v9, v11  }
0x113: {  	v3 =	vld.idx.msk [tilespmem:v3+s0+$0x0], $0xffff;
	(erf) = vpow2.f32 v61  }
0x114: {  	v4 =	vmul.f32 v6, v4;
	v2 =	vsub.f32 v2, v58;
	v7 =	vadd.f32 v7, v9;
	_ =	sdelay $0x1  }
0x115: {  	v63 =	vsub.f32 v62, v60;
	v2 =	vmul.f32 v2, v5;
	v4 =	vadd.f32 v4, v7;
	_ =	sdelay $0x1  }
0x116: {  	v3 =	vmul.f32 v63, v3;
	v2 =	vadd.f32 v2, v4;
	_ =	sdelay $0x1  }
0x117: {  	v2 =	vadd.f32 v3, v2;
	_ =	sdelay $0x1  }
0x118: {  	v3 =	vpop (erf);
	v2 =	vsub.f32 $0.0e+00, v2  }
0x119: {  	v3 =	vadd.f32 $1.000000000e+00, v3  }
0x11a: {  	v2 =	vmul.f32 $1.442695020e+00, v2  }
0x11b: {  	(erf) = vrcp.f32 v3  }
0x11c: {  	(erf) = vpow2.f32 v2;
	_ =	sdelay $0x7  }
0x11d: {  	v2 =	vpop (erf)  }
0x11e: {  	v3 =	vpop (erf)  }
0x11f: {  	v3 =	vadd.f32 $1.000000000e+00, v3;
	_ =	sdelay $0x1  }
0x120: {  	(erf) = vrcp.f32 v3;
	_ =	sdelay $0x7  }
0x121: {  	v1 =	vadd.f32 v2, v1  }
0x122: {  	v2 =	vpop (erf)  }
0x123: {  	s7 =	sadd.s32 $0x1, s7;
	v1 =	vadd.f32 v2, v1  }
0x124: {  	p0 =	sne.s32 s7, s18  }
.Ltmp1:
0x125: {  	s8 =	simm.s32 $0x6600;
	[tilespmem:$0x6600] =	vst v1;
	(pc) =	sbr.rel @p0 .LBB2_1-.Ltmp1, $4  }
0x126: {  	[hbm4b:s17+s2] =	stream.linear.scatter [tilespmem:s8], [sflag:$0x2], $0x10, $0x38;
	[tilespmem:$0x6610] =	vst v63  }
0x127: {  	_ =	swait.ge [sflag:s19], $0x10  }
0x128: {  	[sflag:s19] =	ssyncset.done $0x0  }
0x129: {  	[sflag:s19] =	ssyncadd.s32 $0xFFFFFFF0  }
0x12a: {  	_ =	sfence.sel $0x180000  }
0x12b: {  	[bflag:$0x0] =	sbarrier.arrive $0xFFFF  }
0x12c: {  	_ =	strace $0x90000047  }
0x12d: {  	s0 =	stileid.u32;
	[bflag:$0x2] =	sbarrier.arrive $0xFFFF  }
0x12e: {  	p0 =	sne.s32 s0, $0x0;
	s0 =	rddreg [dreg:$0x4]  }
0x12f: {  	s0 =	sadd.s32 @!p0 $0x100000, s0  }
0x130: {  	[sflag:s0] =	ssyncadd.tile.s32 @!p0 $0x1;
	_ =	shalt  }
.Lfunc_end2:
_tile_overlayer_lowered:
.L_overlay_start_2:
0x131: {  	(tag) =	ssettag $0x2  }
0x132: {  	s0 =	rddreg [dreg:$0x0];
	s2 =	stileid.u32  }
0x133: {  	s1 =	rddreg [dreg:$0x1];
	p0 =	sne.s32 s2, $0x0  }
0x134: {  	s3 =	rddreg [dreg:$0x2];
	[bflag:$0x3] =	sbarrier.arrive $0xFFFF;
	s2 =	simm.s32 @!p0 $0x1C02  }
0x135: {  	[timem:s3], [sflag:s2] =	dma.local @!p0 [hbm:s0], s1  }
0x136: {  	s0 =	simm.s32 @!p0 $0x2  }
0x137: {  	_ =	swait.ge @!p0 [sflag:s0], s1  }
0x138: {  	s1 =	ssub.s32 @!p0 $0x0, s1;
	[sflag:s0] =	ssyncset.done @!p0 $0x0  }
0x139: {  	[sflag:s0] =	ssyncadd.s32 @!p0 s1  }
0x13a: {  	[bflag:$0x3] =	sbarrier.arrive $0xFFFF  }
0x13b: {  	_ =	shalt  }

</sc_bundles>
